<compile_context>
chip_gen: v7x
topology: tpu7x:2x2x1
jax: 0.10.2.dev20260603
libtpu: 0.0.44.dev20260713+nightly
codegen_flags: <defaults>
</compile_context>

<pallas_src>
import functools

import jax
import jax.numpy as jnp
from jax import lax
from jax.experimental import pallas as pl
from jax.experimental.pallas import tpu as pltpu
from jax.experimental.pallas import tpu_sc as plsc

L = 16
NUM_BINS = 52
BIN_STRIDE = 64
UNROLL = 16


def _mean_partials(cards, rank_embed, suit_embed, nc, ns):
    nw = nc * ns
    n = cards.shape[0]
    per_w = n // nw
    inv_n = 1.0 / n

    mesh = plsc.VectorSubcoreMesh(core_axis_name="c", subcore_axis_name="s")

    @functools.partial(
        pl.kernel,
        mesh=mesh,
        compiler_params=pltpu.CompilerParams(needs_layout_passes=False),
        out_type=jax.ShapeDtypeStruct((nw, L), jnp.float32),
        scratch_types=[
            pltpu.VMEM((per_w,), jnp.int32),
            pltpu.VMEM((L * BIN_STRIDE,), jnp.int32),
            pltpu.VMEM((13, 8), jnp.float32),
            pltpu.VMEM((4, 4), jnp.float32),
            pltpu.VMEM((L,), jnp.float32),
            pltpu.SemaphoreType.DMA,
            pltpu.SemaphoreType.DMA,
            pltpu.SemaphoreType.DMA,
            pltpu.SemaphoreType.DMA,
            pltpu.SemaphoreType.DMA,
            pltpu.SemaphoreType.DMA,
        ],
    )
    def hist_kernel(cards_hbm, rank_hbm, suit_hbm, out_hbm, cards_v, counts_v,
                    rank_v, suit_v, partial_v, sem0, sem1, sem2, sem3, sem4, sem5):
        wid = lax.axis_index("s") * nc + lax.axis_index("c")
        base = wid * per_w
        quarter = per_w // 4
        chunk_sems = [sem0, sem1, sem2, sem3]
        cps_cards = [
            pltpu.async_copy(cards_hbm.at[pl.ds(base + q * quarter, quarter)],
                             cards_v.at[pl.ds(q * quarter, quarter)], chunk_sems[q])
            for q in range(4)
        ]
        cpr = pltpu.async_copy(rank_hbm, rank_v, sem4)
        cps = pltpu.async_copy(suit_hbm, suit_v, sem5)

        zeros16 = jnp.zeros((L,), jnp.int32)
        for r in range(L * BIN_STRIDE // L):
            counts_v[pl.ds(r * L, L)] = zeros16

        lane = lax.iota(jnp.int32, L)
        lane_base = lane * BIN_STRIDE
        ones = jnp.ones((L,), jnp.int32)

        for q in range(4):
            cps_cards[q].wait()

            @plsc.parallel_loop(q * (quarter // L), (q + 1) * (quarter // L),
                                step=1, unroll=UNROLL)
            def body(j):
                c = cards_v[pl.ds(j * L, L)]
                plsc.addupdate_scatter(counts_v, [lane_base + c], ones)

        cpr.wait()
        cps.wait()

        chunk_tot = []
        for k in range(BIN_STRIDE // L):
            tk = counts_v[pl.ds(k * L, L)]
            for l in range(1, L):
                tk = tk + counts_v[pl.ds(l * BIN_STRIDE + k * L, L)]
            chunk_tot.append(tk.astype(jnp.float32))

        lane7 = lane & 7
        lane3 = lane & 3
        rmask = jnp.where(lane < 8, 1.0, 0.0).astype(jnp.float32)
        smask = jnp.where((lane >= 8) & (lane < 12), 1.0, 0.0).astype(jnp.float32)

        acc = jnp.zeros((L,), jnp.float32)
        for c in range(NUM_BINS):
            tot = chunk_tot[c // L][c % L]
            rrow = plsc.load_gather(rank_v, [jnp.full((L,), c % 13, jnp.int32), lane7])
            srow = plsc.load_gather(suit_v, [jnp.full((L,), c // 13, jnp.int32), lane3])
            acc = acc + tot * (rrow * rmask + srow * smask)
        partial_v[...] = acc * inv_n
        pltpu.sync_copy(partial_v, out_hbm.at[wid])

    return hist_kernel(cards, rank_embed, suit_embed)


def kernel(cards, rank_embed, suit_embed):
    info = plsc.get_sparse_core_info()
    nc, ns = info.num_cores, info.num_subcores
    partials = _mean_partials(cards, rank_embed, suit_embed, nc, ns)
    return partials.sum(axis=0)[:12]

# --- scband reference (transcript-rebuilt; emitter-appended) ---
"""Pipeline reference for scband-card-embedding-17291538333886 (READ-ONLY COPY).

The authoritative reference and input builder live on the scoring server;
editing this copy changes nothing except your own understanding.
"""

import jax, jax.numpy as jnp
import numpy as np

N_CARDS = 819200

def setup_inputs(seed: int = 0) -> dict:
    key = jax.random.key(seed)
    k1, k2, k3 = jax.random.split(key, 3)
    # card indices in [0, 52)
    cards = jax.random.randint(k1, (N_CARDS,), 0, 52, dtype=jnp.int32)
    # learned parameters: nn.Embedding(13, 8) and nn.Embedding(4, 4)
    rank_embed = jax.random.normal(k2, (13, 8), dtype=jnp.float32)
    suit_embed = jax.random.normal(k3, (4, 4), dtype=jnp.float32)
    return {"cards": cards, "rank_embed": rank_embed, "suit_embed": suit_embed}

def reference(cards, rank_embed, suit_embed):
    # card -> (rank, suit) decomposition, vectorized version of the per-card loop
    ranks = cards % 13
    suits = cards // 13
    # embedding lookup == row gather
    r = jnp.take(rank_embed, ranks, axis=0)  # [N, 8]
    s = jnp.take(suit_embed, suits, axis=0)  # [N, 4]
    # mean over the card axis, then concat -> [12]
    return jnp.concatenate([r.mean(axis=0), s.mean(axis=0)])

if __name__ == "__main__":
    import jax
    _d = setup_inputs()
    print(jax.jit(kernel)(*tuple(_d.values())))

</pallas_src>

<mosaic_0001>
#map = affine_map<(d0, d1) -> (0)>
#map1 = affine_map<(d0, d1) -> (0, 0)>
module attributes {stable_mosaic.version = 14 : i64} {
  func.func @hist_kernel(%arg0: i32, %arg1: i32, %arg2: memref<819200xi32, #tpu.memory_space<hbm>>, %arg3: memref<13x8xf32, #tpu.memory_space<hbm>>, %arg4: memref<4x4xf32, #tpu.memory_space<hbm>>, %arg5: memref<32x16xf32, #tpu.memory_space<hbm>>, %arg6: memref<25600xi32, #tpu.memory_space<vmem>>, %arg7: memref<1024xi32, #tpu.memory_space<vmem>>, %arg8: memref<13x8xf32, #tpu.memory_space<vmem>>, %arg9: memref<4x4xf32, #tpu.memory_space<vmem>>, %arg10: memref<16xf32, #tpu.memory_space<vmem>>, %arg11: memref<!tpu.dma_semaphore, #tpu.memory_space<semaphore_mem>>, %arg12: memref<!tpu.dma_semaphore, #tpu.memory_space<semaphore_mem>>, %arg13: memref<!tpu.dma_semaphore, #tpu.memory_space<semaphore_mem>>, %arg14: memref<!tpu.dma_semaphore, #tpu.memory_space<semaphore_mem>>, %arg15: memref<!tpu.dma_semaphore, #tpu.memory_space<semaphore_mem>>, %arg16: memref<!tpu.dma_semaphore, #tpu.memory_space<semaphore_mem>>) attributes {dimension_semantics = [#tpu.dimension_semantics<core_parallel>, #tpu.dimension_semantics<subcore_parallel>], iteration_bounds = array<i64: 2, 16>, scalar_prefetch = 0 : i64, scratch_operands = 11 : i64, tpu.core_type = #tpu.core_type<sc_vector_subcore>, window_params = [{transform_indices = #map}, {transform_indices = #map1}, {transform_indices = #map1}, {transform_indices = #map1}]} {
    %mul3A = arith.constant 2 : i32
    %mul3A_0 = arith.muli %arg1, %mul3A : i32
    %add3A = arith.addi %mul3A_0, %arg0 : i32
    %mul3A_1 = arith.constant 25600 : i32
    %mul3A_2 = arith.muli %add3A, %mul3A_1 : i32
    %add3A_3 = arith.constant 0 : i32
    %add3A_4 = arith.addi %mul3A_2, %add3A_3 : i32
    %dma_start3A = arith.constant 0 : i32
    %dma_start3A_5 = tpu.memref_slice %arg6[%dma_start3A] : memref<25600xi32, #tpu.memory_space<vmem>> -> memref<6400xi32, #tpu.memory_space<vmem>>
    %dma_start3A_6 = tpu.memref_slice %arg2[%add3A_4] : memref<819200xi32, #tpu.memory_space<hbm>> -> memref<6400xi32, #tpu.memory_space<hbm>>
    %dma_start3A_7 = arith.constant 0 : i32
    %dma_start3A_8 = tpu.memref_slice %arg6[%dma_start3A_7] : memref<25600xi32, #tpu.memory_space<vmem>> -> memref<6400xi32, #tpu.memory_space<vmem>>
    %dma_start3A_9 = tpu.memref_slice %arg2[%add3A_4] : memref<819200xi32, #tpu.memory_space<hbm>> -> memref<6400xi32, #tpu.memory_space<hbm>>
    tpu.enqueue_dma source(%dma_start3A_9 : memref<6400xi32, #tpu.memory_space<hbm>>) target(%dma_start3A_8 : memref<6400xi32, #tpu.memory_space<vmem>>) target_semaphore(%arg11 : memref<!tpu.dma_semaphore, #tpu.memory_space<semaphore_mem>>)
    %add3A_10 = arith.constant 6400 : i32
    %add3A_11 = arith.addi %mul3A_2, %add3A_10 : i32
    %dma_start3A_12 = arith.constant 6400 : i32
    %dma_start3A_13 = tpu.memref_slice %arg6[%dma_start3A_12] : memref<25600xi32, #tpu.memory_space<vmem>> -> memref<6400xi32, #tpu.memory_space<vmem>>
    %dma_start3A_14 = tpu.memref_slice %arg2[%add3A_11] : memref<819200xi32, #tpu.memory_space<hbm>> -> memref<6400xi32, #tpu.memory_space<hbm>>
    %dma_start3A_15 = arith.constant 6400 : i32
    %dma_start3A_16 = tpu.memref_slice %arg6[%dma_start3A_15] : memref<25600xi32, #tpu.memory_space<vmem>> -> memref<6400xi32, #tpu.memory_space<vmem>>
    %dma_start3A_17 = tpu.memref_slice %arg2[%add3A_11] : memref<819200xi32, #tpu.memory_space<hbm>> -> memref<6400xi32, #tpu.memory_space<hbm>>
    tpu.enqueue_dma source(%dma_start3A_17 : memref<6400xi32, #tpu.memory_space<hbm>>) target(%dma_start3A_16 : memref<6400xi32, #tpu.memory_space<vmem>>) target_semaphore(%arg12 : memref<!tpu.dma_semaphore, #tpu.memory_space<semaphore_mem>>)
    %add3A_18 = arith.constant 12800 : i32
    %add3A_19 = arith.addi %mul3A_2, %add3A_18 : i32
    %dma_start3A_20 = arith.constant 12800 : i32
    %dma_start3A_21 = tpu.memref_slice %arg6[%dma_start3A_20] : memref<25600xi32, #tpu.memory_space<vmem>> -> memref<6400xi32, #tpu.memory_space<vmem>>
    %dma_start3A_22 = tpu.memref_slice %arg2[%add3A_19] : memref<819200xi32, #tpu.memory_space<hbm>> -> memref<6400xi32, #tpu.memory_space<hbm>>
    %dma_start3A_23 = arith.constant 12800 : i32
    %dma_start3A_24 = tpu.memref_slice %arg6[%dma_start3A_23] : memref<25600xi32, #tpu.memory_space<vmem>> -> memref<6400xi32, #tpu.memory_space<vmem>>
    %dma_start3A_25 = tpu.memref_slice %arg2[%add3A_19] : memref<819200xi32, #tpu.memory_space<hbm>> -> memref<6400xi32, #tpu.memory_space<hbm>>
    tpu.enqueue_dma source(%dma_start3A_25 : memref<6400xi32, #tpu.memory_space<hbm>>) target(%dma_start3A_24 : memref<6400xi32, #tpu.memory_space<vmem>>) target_semaphore(%arg13 : memref<!tpu.dma_semaphore, #tpu.memory_space<semaphore_mem>>)
    %add3A_26 = arith.constant 19200 : i32
    %add3A_27 = arith.addi %mul3A_2, %add3A_26 : i32
    %dma_start3A_28 = arith.constant 19200 : i32
    %dma_start3A_29 = tpu.memref_slice %arg6[%dma_start3A_28] : memref<25600xi32, #tpu.memory_space<vmem>> -> memref<6400xi32, #tpu.memory_space<vmem>>
    %dma_start3A_30 = tpu.memref_slice %arg2[%add3A_27] : memref<819200xi32, #tpu.memory_space<hbm>> -> memref<6400xi32, #tpu.memory_space<hbm>>
    %dma_start3A_31 = arith.constant 19200 : i32
    %dma_start3A_32 = tpu.memref_slice %arg6[%dma_start3A_31] : memref<25600xi32, #tpu.memory_space<vmem>> -> memref<6400xi32, #tpu.memory_space<vmem>>
    %dma_start3A_33 = tpu.memref_slice %arg2[%add3A_27] : memref<819200xi32, #tpu.memory_space<hbm>> -> memref<6400xi32, #tpu.memory_space<hbm>>
    tpu.enqueue_dma source(%dma_start3A_33 : memref<6400xi32, #tpu.memory_space<hbm>>) target(%dma_start3A_32 : memref<6400xi32, #tpu.memory_space<vmem>>) target_semaphore(%arg14 : memref<!tpu.dma_semaphore, #tpu.memory_space<semaphore_mem>>)
    tpu.enqueue_dma source(%arg3 : memref<13x8xf32, #tpu.memory_space<hbm>>) target(%arg8 : memref<13x8xf32, #tpu.memory_space<vmem>>) target_semaphore(%arg15 : memref<!tpu.dma_semaphore, #tpu.memory_space<semaphore_mem>>)
    tpu.enqueue_dma source(%arg4 : memref<4x4xf32, #tpu.memory_space<hbm>>) target(%arg9 : memref<4x4xf32, #tpu.memory_space<vmem>>) target_semaphore(%arg16 : memref<!tpu.dma_semaphore, #tpu.memory_space<semaphore_mem>>)
    %broadcast_in_dim3A = arith.constant 0 : i32
    %broadcast_in_dim3A_34 = vector.broadcast %broadcast_in_dim3A : i32 to vector<16xi32>
    %swap3A = arith.constant 0 : index
    %swap3A_35 = tpu.vector_load %arg7[%swap3A] {strides = array<i32>} : memref<1024xi32, #tpu.memory_space<vmem>>, vector<16xi32>,
    tpu.vector_store %arg7[%swap3A], %broadcast_in_dim3A_34 {strides = array<i32>} : memref<1024xi32, #tpu.memory_space<vmem>>, vector<16xi32>,
    %swap3A_36 = arith.constant 16 : index
    %swap3A_37 = tpu.vector_load %arg7[%swap3A_36] {strides = array<i32>} : memref<1024xi32, #tpu.memory_space<vmem>>, vector<16xi32>,
    tpu.vector_store %arg7[%swap3A_36], %broadcast_in_dim3A_34 {strides = array<i32>} : memref<1024xi32, #tpu.memory_space<vmem>>, vector<16xi32>,
    %swap3A_38 = arith.constant 32 : index
    %swap3A_39 = tpu.vector_load %arg7[%swap3A_38] {strides = array<i32>} : memref<1024xi32, #tpu.memory_space<vmem>>, vector<16xi32>,
    tpu.vector_store %arg7[%swap3A_38], %broadcast_in_dim3A_34 {strides = array<i32>} : memref<1024xi32, #tpu.memory_space<vmem>>, vector<16xi32>,
    %swap3A_40 = arith.constant 48 : index
    %swap3A_41 = tpu.vector_load %arg7[%swap3A_40] {strides = array<i32>} : memref<1024xi32, #tpu.memory_space<vmem>>, vector<16xi32>,
    tpu.vector_store %arg7[%swap3A_40], %broadcast_in_dim3A_34 {strides = array<i32>} : memref<1024xi32, #tpu.memory_space<vmem>>, vector<16xi32>,
    %swap3A_42 = arith.constant 64 : index
    %swap3A_43 = tpu.vector_load %arg7[%swap3A_42] {strides = array<i32>} : memref<1024xi32, #tpu.memory_space<vmem>>, vector<16xi32>,
    tpu.vector_store %arg7[%swap3A_42], %broadcast_in_dim3A_34 {strides = array<i32>} : memref<1024xi32, #tpu.memory_space<vmem>>, vector<16xi32>,
    %swap3A_44 = arith.constant 80 : index
    %swap3A_45 = tpu.vector_load %arg7[%swap3A_44] {strides = array<i32>} : memref<1024xi32, #tpu.memory_space<vmem>>, vector<16xi32>,
    tpu.vector_store %arg7[%swap3A_44], %broadcast_in_dim3A_34 {strides = array<i32>} : memref<1024xi32, #tpu.memory_space<vmem>>, vector<16xi32>,
    %swap3A_46 = arith.constant 96 : index
    %swap3A_47 = tpu.vector_load %arg7[%swap3A_46] {strides = array<i32>} : memref<1024xi32, #tpu.memory_space<vmem>>, vector<16xi32>,
    tpu.vector_store %arg7[%swap3A_46], %broadcast_in_dim3A_34 {strides = array<i32>} : memref<1024xi32, #tpu.memory_space<vmem>>, vector<16xi32>,
    %swap3A_48 = arith.constant 112 : index
    %swap3A_49 = tpu.vector_load %arg7[%swap3A_48] {strides = array<i32>} : memref<1024xi32, #tpu.memory_space<vmem>>, vector<16xi32>,
    tpu.vector_store %arg7[%swap3A_48], %broadcast_in_dim3A_34 {strides = array<i32>} : memref<1024xi32, #tpu.memory_space<vmem>>, vector<16xi32>,
    %swap3A_50 = arith.constant 128 : index
    %swap3A_51 = tpu.vector_load %arg7[%swap3A_50] {strides = array<i32>} : memref<1024xi32, #tpu.memory_space<vmem>>, vector<16xi32>,
    tpu.vector_store %arg7[%swap3A_50], %broadcast_in_dim3A_34 {strides = array<i32>} : memref<1024xi32, #tpu.memory_space<vmem>>, vector<16xi32>,
    %swap3A_52 = arith.constant 144 : index
    %swap3A_53 = tpu.vector_load %arg7[%swap3A_52] {strides = array<i32>} : memref<1024xi32, #tpu.memory_space<vmem>>, vector<16xi32>,
    tpu.vector_store %arg7[%swap3A_52], %broadcast_in_dim3A_34 {strides = array<i32>} : memref<1024xi32, #tpu.memory_space<vmem>>, vector<16xi32>,
    %swap3A_54 = arith.constant 160 : index
    %swap3A_55 = tpu.vector_load %arg7[%swap3A_54] {strides = array<i32>} : memref<1024xi32, #tpu.memory_space<vmem>>, vector<16xi32>,
    tpu.vector_store %arg7[%swap3A_54], %broadcast_in_dim3A_34 {strides = array<i32>} : memref<1024xi32, #tpu.memory_space<vmem>>, vector<16xi32>,
    %swap3A_56 = arith.constant 176 : index
    %swap3A_57 = tpu.vector_load %arg7[%swap3A_56] {strides = array<i32>} : memref<1024xi32, #tpu.memory_space<vmem>>, vector<16xi32>,
    tpu.vector_store %arg7[%swap3A_56], %broadcast_in_dim3A_34 {strides = array<i32>} : memref<1024xi32, #tpu.memory_space<vmem>>, vector<16xi32>,
    %swap3A_58 = arith.constant 192 : index
    %swap3A_59 = tpu.vector_load %arg7[%swap3A_58] {strides = array<i32>} : memref<1024xi32, #tpu.memory_space<vmem>>, vector<16xi32>,
    tpu.vector_store %arg7[%swap3A_58], %broadcast_in_dim3A_34 {strides = array<i32>} : memref<1024xi32, #tpu.memory_space<vmem>>, vector<16xi32>,
    %swap3A_60 = arith.constant 208 : index
    %swap3A_61 = tpu.vector_load %arg7[%swap3A_60] {strides = array<i32>} : memref<1024xi32, #tpu.memory_space<vmem>>, vector<16xi32>,
    tpu.vector_store %arg7[%swap3A_60], %broadcast_in_dim3A_34 {strides = array<i32>} : memref<1024xi32, #tpu.memory_space<vmem>>, vector<16xi32>,
    %swap3A_62 = arith.constant 224 : index
    %swap3A_63 = tpu.vector_load %arg7[%swap3A_62] {strides = array<i32>} : memref<1024xi32, #tpu.memory_space<vmem>>, vector<16xi32>,
    tpu.vector_store %arg7[%swap3A_62], %broadcast_in_dim3A_34 {strides = array<i32>} : memref<1024xi32, #tpu.memory_space<vmem>>, vector<16xi32>,
    %swap3A_64 = arith.constant 240 : index
    %swap3A_65 = tpu.vector_load %arg7[%swap3A_64] {strides = array<i32>} : memref<1024xi32, #tpu.memory_space<vmem>>, vector<16xi32>,
    tpu.vector_store %arg7[%swap3A_64], %broadcast_in_dim3A_34 {strides = array<i32>} : memref<1024xi32, #tpu.memory_space<vmem>>, vector<16xi32>,
    %swap3A_66 = arith.constant 256 : index
    %swap3A_67 = tpu.vector_load %arg7[%swap3A_66] {strides = array<i32>} : memref<1024xi32, #tpu.memory_space<vmem>>, vector<16xi32>,
    tpu.vector_store %arg7[%swap3A_66], %broadcast_in_dim3A_34 {strides = array<i32>} : memref<1024xi32, #tpu.memory_space<vmem>>, vector<16xi32>,
    %swap3A_68 = arith.constant 272 : index
    %swap3A_69 = tpu.vector_load %arg7[%swap3A_68] {strides = array<i32>} : memref<1024xi32, #tpu.memory_space<vmem>>, vector<16xi32>,
    tpu.vector_store %arg7[%swap3A_68], %broadcast_in_dim3A_34 {strides = array<i32>} : memref<1024xi32, #tpu.memory_space<vmem>>, vector<16xi32>,
    %swap3A_70 = arith.constant 288 : index
    %swap3A_71 = tpu.vector_load %arg7[%swap3A_70] {strides = array<i32>} : memref<1024xi32, #tpu.memory_space<vmem>>, vector<16xi32>,
    tpu.vector_store %arg7[%swap3A_70], %broadcast_in_dim3A_34 {strides = array<i32>} : memref<1024xi32, #tpu.memory_space<vmem>>, vector<16xi32>,
    %swap3A_72 = arith.constant 304 : index
    %swap3A_73 = tpu.vector_load %arg7[%swap3A_72] {strides = array<i32>} : memref<1024xi32, #tpu.memory_space<vmem>>, vector<16xi32>,
    tpu.vector_store %arg7[%swap3A_72], %broadcast_in_dim3A_34 {strides = array<i32>} : memref<1024xi32, #tpu.memory_space<vmem>>, vector<16xi32>,
    %swap3A_74 = arith.constant 320 : index
    %swap3A_75 = tpu.vector_load %arg7[%swap3A_74] {strides = array<i32>} : memref<1024xi32, #tpu.memory_space<vmem>>, vector<16xi32>,
    tpu.vector_store %arg7[%swap3A_74], %broadcast_in_dim3A_34 {strides = array<i32>} : memref<1024xi32, #tpu.memory_space<vmem>>, vector<16xi32>,
    %swap3A_76 = arith.constant 336 : index
    %swap3A_77 = tpu.vector_load %arg7[%swap3A_76] {strides = array<i32>} : memref<1024xi32, #tpu.memory_space<vmem>>, vector<16xi32>,
    tpu.vector_store %arg7[%swap3A_76], %broadcast_in_dim3A_34 {strides = array<i32>} : memref<1024xi32, #tpu.memory_space<vmem>>, vector<16xi32>,
    %swap3A_78 = arith.constant 352 : index
    %swap3A_79 = tpu.vector_load %arg7[%swap3A_78] {strides = array<i32>} : memref<1024xi32, #tpu.memory_space<vmem>>, vector<16xi32>,
    tpu.vector_store %arg7[%swap3A_78], %broadcast_in_dim3A_34 {strides = array<i32>} : memref<1024xi32, #tpu.memory_space<vmem>>, vector<16xi32>,
    %swap3A_80 = arith.constant 368 : index
    %swap3A_81 = tpu.vector_load %arg7[%swap3A_80] {strides = array<i32>} : memref<1024xi32, #tpu.memory_space<vmem>>, vector<16xi32>,
    tpu.vector_store %arg7[%swap3A_80], %broadcast_in_dim3A_34 {strides = array<i32>} : memref<1024xi32, #tpu.memory_space<vmem>>, vector<16xi32>,
    %swap3A_82 = arith.constant 384 : index
    %swap3A_83 = tpu.vector_load %arg7[%swap3A_82] {strides = array<i32>} : memref<1024xi32, #tpu.memory_space<vmem>>, vector<16xi32>,
    tpu.vector_store %arg7[%swap3A_82], %broadcast_in_dim3A_34 {strides = array<i32>} : memref<1024xi32, #tpu.memory_space<vmem>>, vector<16xi32>,
    %swap3A_84 = arith.constant 400 : index
    %swap3A_85 = tpu.vector_load %arg7[%swap3A_84] {strides = array<i32>} : memref<1024xi32, #tpu.memory_space<vmem>>, vector<16xi32>,
    tpu.vector_store %arg7[%swap3A_84], %broadcast_in_dim3A_34 {strides = array<i32>} : memref<1024xi32, #tpu.memory_space<vmem>>, vector<16xi32>,
    %swap3A_86 = arith.constant 416 : index
    %swap3A_87 = tpu.vector_load %arg7[%swap3A_86] {strides = array<i32>} : memref<1024xi32, #tpu.memory_space<vmem>>, vector<16xi32>,
    tpu.vector_store %arg7[%swap3A_86], %broadcast_in_dim3A_34 {strides = array<i32>} : memref<1024xi32, #tpu.memory_space<vmem>>, vector<16xi32>,
    %swap3A_88 = arith.constant 432 : index
    %swap3A_89 = tpu.vector_load %arg7[%swap3A_88] {strides = array<i32>} : memref<1024xi32, #tpu.memory_space<vmem>>, vector<16xi32>,
    tpu.vector_store %arg7[%swap3A_88], %broadcast_in_dim3A_34 {strides = array<i32>} : memref<1024xi32, #tpu.memory_space<vmem>>, vector<16xi32>,
    %swap3A_90 = arith.constant 448 : index
    %swap3A_91 = tpu.vector_load %arg7[%swap3A_90] {strides = array<i32>} : memref<1024xi32, #tpu.memory_space<vmem>>, vector<16xi32>,
    tpu.vector_store %arg7[%swap3A_90], %broadcast_in_dim3A_34 {strides = array<i32>} : memref<1024xi32, #tpu.memory_space<vmem>>, vector<16xi32>,
    %swap3A_92 = arith.constant 464 : index
    %swap3A_93 = tpu.vector_load %arg7[%swap3A_92] {strides = array<i32>} : memref<1024xi32, #tpu.memory_space<vmem>>, vector<16xi32>,
    tpu.vector_store %arg7[%swap3A_92], %broadcast_in_dim3A_34 {strides = array<i32>} : memref<1024xi32, #tpu.memory_space<vmem>>, vector<16xi32>,
    %swap3A_94 = arith.constant 480 : index
    %swap3A_95 = tpu.vector_load %arg7[%swap3A_94] {strides = array<i32>} : memref<1024xi32, #tpu.memory_space<vmem>>, vector<16xi32>,
    tpu.vector_store %arg7[%swap3A_94], %broadcast_in_dim3A_34 {strides = array<i32>} : memref<1024xi32, #tpu.memory_space<vmem>>, vector<16xi32>,
    %swap3A_96 = arith.constant 496 : index
    %swap3A_97 = tpu.vector_load %arg7[%swap3A_96] {strides = array<i32>} : memref<1024xi32, #tpu.memory_space<vmem>>, vector<16xi32>,
    tpu.vector_store %arg7[%swap3A_96], %broadcast_in_dim3A_34 {strides = array<i32>} : memref<1024xi32, #tpu.memory_space<vmem>>, vector<16xi32>,
    %swap3A_98 = arith.constant 512 : index
    %swap3A_99 = tpu.vector_load %arg7[%swap3A_98] {strides = array<i32>} : memref<1024xi32, #tpu.memory_space<vmem>>, vector<16xi32>,
    tpu.vector_store %arg7[%swap3A_98], %broadcast_in_dim3A_34 {strides = array<i32>} : memref<1024xi32, #tpu.memory_space<vmem>>, vector<16xi32>,
    %swap3A_100 = arith.constant 528 : index
    %swap3A_101 = tpu.vector_load %arg7[%swap3A_100] {strides = array<i32>} : memref<1024xi32, #tpu.memory_space<vmem>>, vector<16xi32>,
    tpu.vector_store %arg7[%swap3A_100], %broadcast_in_dim3A_34 {strides = array<i32>} : memref<1024xi32, #tpu.memory_space<vmem>>, vector<16xi32>,
    %swap3A_102 = arith.constant 544 : index
    %swap3A_103 = tpu.vector_load %arg7[%swap3A_102] {strides = array<i32>} : memref<1024xi32, #tpu.memory_space<vmem>>, vector<16xi32>,
    tpu.vector_store %arg7[%swap3A_102], %broadcast_in_dim3A_34 {strides = array<i32>} : memref<1024xi32, #tpu.memory_space<vmem>>, vector<16xi32>,
    %swap3A_104 = arith.constant 560 : index
    %swap3A_105 = tpu.vector_load %arg7[%swap3A_104] {strides = array<i32>} : memref<1024xi32, #tpu.memory_space<vmem>>, vector<16xi32>,
    tpu.vector_store %arg7[%swap3A_104], %broadcast_in_dim3A_34 {strides = array<i32>} : memref<1024xi32, #tpu.memory_space<vmem>>, vector<16xi32>,
    %swap3A_106 = arith.constant 576 : index
    %swap3A_107 = tpu.vector_load %arg7[%swap3A_106] {strides = array<i32>} : memref<1024xi32, #tpu.memory_space<vmem>>, vector<16xi32>,
    tpu.vector_store %arg7[%swap3A_106], %broadcast_in_dim3A_34 {strides = array<i32>} : memref<1024xi32, #tpu.memory_space<vmem>>, vector<16xi32>,
    %swap3A_108 = arith.constant 592 : index
    %swap3A_109 = tpu.vector_load %arg7[%swap3A_108] {strides = array<i32>} : memref<1024xi32, #tpu.memory_space<vmem>>, vector<16xi32>,
    tpu.vector_store %arg7[%swap3A_108], %broadcast_in_dim3A_34 {strides = array<i32>} : memref<1024xi32, #tpu.memory_space<vmem>>, vector<16xi32>,
    %swap3A_110 = arith.constant 608 : index
    %swap3A_111 = tpu.vector_load %arg7[%swap3A_110] {strides = array<i32>} : memref<1024xi32, #tpu.memory_space<vmem>>, vector<16xi32>,
    tpu.vector_store %arg7[%swap3A_110], %broadcast_in_dim3A_34 {strides = array<i32>} : memref<1024xi32, #tpu.memory_space<vmem>>, vector<16xi32>,
    %swap3A_112 = arith.constant 624 : index
    %swap3A_113 = tpu.vector_load %arg7[%swap3A_112] {strides = array<i32>} : memref<1024xi32, #tpu.memory_space<vmem>>, vector<16xi32>,
    tpu.vector_store %arg7[%swap3A_112], %broadcast_in_dim3A_34 {strides = array<i32>} : memref<1024xi32, #tpu.memory_space<vmem>>, vector<16xi32>,
    %swap3A_114 = arith.constant 640 : index
    %swap3A_115 = tpu.vector_load %arg7[%swap3A_114] {strides = array<i32>} : memref<1024xi32, #tpu.memory_space<vmem>>, vector<16xi32>,
    tpu.vector_store %arg7[%swap3A_114], %broadcast_in_dim3A_34 {strides = array<i32>} : memref<1024xi32, #tpu.memory_space<vmem>>, vector<16xi32>,
    %swap3A_116 = arith.constant 656 : index
    %swap3A_117 = tpu.vector_load %arg7[%swap3A_116] {strides = array<i32>} : memref<1024xi32, #tpu.memory_space<vmem>>, vector<16xi32>,
    tpu.vector_store %arg7[%swap3A_116], %broadcast_in_dim3A_34 {strides = array<i32>} : memref<1024xi32, #tpu.memory_space<vmem>>, vector<16xi32>,
    %swap3A_118 = arith.constant 672 : index
    %swap3A_119 = tpu.vector_load %arg7[%swap3A_118] {strides = array<i32>} : memref<1024xi32, #tpu.memory_space<vmem>>, vector<16xi32>,
    tpu.vector_store %arg7[%swap3A_118], %broadcast_in_dim3A_34 {strides = array<i32>} : memref<1024xi32, #tpu.memory_space<vmem>>, vector<16xi32>,
    %swap3A_120 = arith.constant 688 : index
    %swap3A_121 = tpu.vector_load %arg7[%swap3A_120] {strides = array<i32>} : memref<1024xi32, #tpu.memory_space<vmem>>, vector<16xi32>,
    tpu.vector_store %arg7[%swap3A_120], %broadcast_in_dim3A_34 {strides = array<i32>} : memref<1024xi32, #tpu.memory_space<vmem>>, vector<16xi32>,
    %swap3A_122 = arith.constant 704 : index
    %swap3A_123 = tpu.vector_load %arg7[%swap3A_122] {strides = array<i32>} : memref<1024xi32, #tpu.memory_space<vmem>>, vector<16xi32>,
    tpu.vector_store %arg7[%swap3A_122], %broadcast_in_dim3A_34 {strides = array<i32>} : memref<1024xi32, #tpu.memory_space<vmem>>, vector<16xi32>,
    %swap3A_124 = arith.constant 720 : index
    %swap3A_125 = tpu.vector_load %arg7[%swap3A_124] {strides = array<i32>} : memref<1024xi32, #tpu.memory_space<vmem>>, vector<16xi32>,
    tpu.vector_store %arg7[%swap3A_124], %broadcast_in_dim3A_34 {strides = array<i32>} : memref<1024xi32, #tpu.memory_space<vmem>>, vector<16xi32>,
    %swap3A_126 = arith.constant 736 : index
    %swap3A_127 = tpu.vector_load %arg7[%swap3A_126] {strides = array<i32>} : memref<1024xi32, #tpu.memory_space<vmem>>, vector<16xi32>,
    tpu.vector_store %arg7[%swap3A_126], %broadcast_in_dim3A_34 {strides = array<i32>} : memref<1024xi32, #tpu.memory_space<vmem>>, vector<16xi32>,
    %swap3A_128 = arith.constant 752 : index
    %swap3A_129 = tpu.vector_load %arg7[%swap3A_128] {strides = array<i32>} : memref<1024xi32, #tpu.memory_space<vmem>>, vector<16xi32>,
    tpu.vector_store %arg7[%swap3A_128], %broadcast_in_dim3A_34 {strides = array<i32>} : memref<1024xi32, #tpu.memory_space<vmem>>, vector<16xi32>,
    %swap3A_130 = arith.constant 768 : index
    %swap3A_131 = tpu.vector_load %arg7[%swap3A_130] {strides = array<i32>} : memref<1024xi32, #tpu.memory_space<vmem>>, vector<16xi32>,
    tpu.vector_store %arg7[%swap3A_130], %broadcast_in_dim3A_34 {strides = array<i32>} : memref<1024xi32, #tpu.memory_space<vmem>>, vector<16xi32>,
    %swap3A_132 = arith.constant 784 : index
    %swap3A_133 = tpu.vector_load %arg7[%swap3A_132] {strides = array<i32>} : memref<1024xi32, #tpu.memory_space<vmem>>, vector<16xi32>,
    tpu.vector_store %arg7[%swap3A_132], %broadcast_in_dim3A_34 {strides = array<i32>} : memref<1024xi32, #tpu.memory_space<vmem>>, vector<16xi32>,
    %swap3A_134 = arith.constant 800 : index
    %swap3A_135 = tpu.vector_load %arg7[%swap3A_134] {strides = array<i32>} : memref<1024xi32, #tpu.memory_space<vmem>>, vector<16xi32>,
    tpu.vector_store %arg7[%swap3A_134], %broadcast_in_dim3A_34 {strides = array<i32>} : memref<1024xi32, #tpu.memory_space<vmem>>, vector<16xi32>,
    %swap3A_136 = arith.constant 816 : index
    %swap3A_137 = tpu.vector_load %arg7[%swap3A_136] {strides = array<i32>} : memref<1024xi32, #tpu.memory_space<vmem>>, vector<16xi32>,
    tpu.vector_store %arg7[%swap3A_136], %broadcast_in_dim3A_34 {strides = array<i32>} : memref<1024xi32, #tpu.memory_space<vmem>>, vector<16xi32>,
    %swap3A_138 = arith.constant 832 : index
    %swap3A_139 = tpu.vector_load %arg7[%swap3A_138] {strides = array<i32>} : memref<1024xi32, #tpu.memory_space<vmem>>, vector<16xi32>,
    tpu.vector_store %arg7[%swap3A_138], %broadcast_in_dim3A_34 {strides = array<i32>} : memref<1024xi32, #tpu.memory_space<vmem>>, vector<16xi32>,
    %swap3A_140 = arith.constant 848 : index
    %swap3A_141 = tpu.vector_load %arg7[%swap3A_140] {strides = array<i32>} : memref<1024xi32, #tpu.memory_space<vmem>>, vector<16xi32>,
    tpu.vector_store %arg7[%swap3A_140], %broadcast_in_dim3A_34 {strides = array<i32>} : memref<1024xi32, #tpu.memory_space<vmem>>, vector<16xi32>,
    %swap3A_142 = arith.constant 864 : index
    %swap3A_143 = tpu.vector_load %arg7[%swap3A_142] {strides = array<i32>} : memref<1024xi32, #tpu.memory_space<vmem>>, vector<16xi32>,
    tpu.vector_store %arg7[%swap3A_142], %broadcast_in_dim3A_34 {strides = array<i32>} : memref<1024xi32, #tpu.memory_space<vmem>>, vector<16xi32>,
    %swap3A_144 = arith.constant 880 : index
    %swap3A_145 = tpu.vector_load %arg7[%swap3A_144] {strides = array<i32>} : memref<1024xi32, #tpu.memory_space<vmem>>, vector<16xi32>,
    tpu.vector_store %arg7[%swap3A_144], %broadcast_in_dim3A_34 {strides = array<i32>} : memref<1024xi32, #tpu.memory_space<vmem>>, vector<16xi32>,
    %swap3A_146 = arith.constant 896 : index
    %swap3A_147 = tpu.vector_load %arg7[%swap3A_146] {strides = array<i32>} : memref<1024xi32, #tpu.memory_space<vmem>>, vector<16xi32>,
    tpu.vector_store %arg7[%swap3A_146], %broadcast_in_dim3A_34 {strides = array<i32>} : memref<1024xi32, #tpu.memory_space<vmem>>, vector<16xi32>,
    %swap3A_148 = arith.constant 912 : index
    %swap3A_149 = tpu.vector_load %arg7[%swap3A_148] {strides = array<i32>} : memref<1024xi32, #tpu.memory_space<vmem>>, vector<16xi32>,
    tpu.vector_store %arg7[%swap3A_148], %broadcast_in_dim3A_34 {strides = array<i32>} : memref<1024xi32, #tpu.memory_space<vmem>>, vector<16xi32>,
    %swap3A_150 = arith.constant 928 : index
    %swap3A_151 = tpu.vector_load %arg7[%swap3A_150] {strides = array<i32>} : memref<1024xi32, #tpu.memory_space<vmem>>, vector<16xi32>,
    tpu.vector_store %arg7[%swap3A_150], %broadcast_in_dim3A_34 {strides = array<i32>} : memref<1024xi32, #tpu.memory_space<vmem>>, vector<16xi32>,
    %swap3A_152 = arith.constant 944 : index
    %swap3A_153 = tpu.vector_load %arg7[%swap3A_152] {strides = array<i32>} : memref<1024xi32, #tpu.memory_space<vmem>>, vector<16xi32>,
    tpu.vector_store %arg7[%swap3A_152], %broadcast_in_dim3A_34 {strides = array<i32>} : memref<1024xi32, #tpu.memory_space<vmem>>, vector<16xi32>,
    %swap3A_154 = arith.constant 960 : index
    %swap3A_155 = tpu.vector_load %arg7[%swap3A_154] {strides = array<i32>} : memref<1024xi32, #tpu.memory_space<vmem>>, vector<16xi32>,
    tpu.vector_store %arg7[%swap3A_154], %broadcast_in_dim3A_34 {strides = array<i32>} : memref<1024xi32, #tpu.memory_space<vmem>>, vector<16xi32>,
    %swap3A_156 = arith.constant 976 : index
    %swap3A_157 = tpu.vector_load %arg7[%swap3A_156] {strides = array<i32>} : memref<1024xi32, #tpu.memory_space<vmem>>, vector<16xi32>,
    tpu.vector_store %arg7[%swap3A_156], %broadcast_in_dim3A_34 {strides = array<i32>} : memref<1024xi32, #tpu.memory_space<vmem>>, vector<16xi32>,
    %swap3A_158 = arith.constant 992 : index
    %swap3A_159 = tpu.vector_load %arg7[%swap3A_158] {strides = array<i32>} : memref<1024xi32, #tpu.memory_space<vmem>>, vector<16xi32>,
    tpu.vector_store %arg7[%swap3A_158], %broadcast_in_dim3A_34 {strides = array<i32>} : memref<1024xi32, #tpu.memory_space<vmem>>, vector<16xi32>,
    %swap3A_160 = arith.constant 1008 : index
    %swap3A_161 = tpu.vector_load %arg7[%swap3A_160] {strides = array<i32>} : memref<1024xi32, #tpu.memory_space<vmem>>, vector<16xi32>,
    tpu.vector_store %arg7[%swap3A_160], %broadcast_in_dim3A_34 {strides = array<i32>} : memref<1024xi32, #tpu.memory_space<vmem>>, vector<16xi32>,
    %iota3A = tpu.iota {dimensions = array<i32: 0>} : vector<16xi32>
    %mul3A_162 = arith.constant 64 : i32
    %mul3A_163 = vector.broadcast %mul3A_162 : i32 to vector<16xi32>
    %mul3A_164 = arith.muli %iota3A, %mul3A_163 : vector<16xi32>
    %broadcast_in_dim3A_165 = arith.constant 1 : i32
    %broadcast_in_dim3A_166 = vector.broadcast %broadcast_in_dim3A_165 : i32 to vector<16xi32>
    %dma_wait3A = arith.constant 0 : i32
    %dma_wait3A_167 = tpu.memref_slice %arg6[%dma_wait3A] : memref<25600xi32, #tpu.memory_space<vmem>> -> memref<6400xi32, #tpu.memory_space<vmem>>
    %dma_wait3A_168 = tpu.memref_slice %arg2[%add3A_4] : memref<819200xi32, #tpu.memory_space<hbm>> -> memref<6400xi32, #tpu.memory_space<hbm>>
    %dma_wait3A_169 = arith.constant 0 : i32
    %dma_wait3A_170 = tpu.memref_slice %arg6[%dma_wait3A_169] : memref<25600xi32, #tpu.memory_space<vmem>> -> memref<6400xi32, #tpu.memory_space<vmem>>
    %dma_wait3A_171 = tpu.memref_slice %arg2[%add3A_4] : memref<819200xi32, #tpu.memory_space<hbm>> -> memref<6400xi32, #tpu.memory_space<hbm>>
    tpu.wait_dma2 semaphore(%arg11 : memref<!tpu.dma_semaphore, #tpu.memory_space<semaphore_mem>>) src(%dma_wait3A_171 : memref<6400xi32, #tpu.memory_space<hbm>>) dst(%dma_wait3A_170 : memref<6400xi32, #tpu.memory_space<vmem>>)
    %parallel_loop3A = arith.constant 0 : i32
    %parallel_loop3A_172 = arith.constant 400 : i32
    %parallel_loop3A_173 = arith.constant 1 : i32
    scf.for %parallel_loop3A_1144 = %parallel_loop3A to %parallel_loop3A_172 step %parallel_loop3A_173  : i32 {
      %parallel_loop3A_1145 = arith.constant 16 : i32
      %parallel_loop3A_1146 = arith.muli %parallel_loop3A_1144, %parallel_loop3A_1145 : i32
      %parallel_loop3A_1147 = arith.index_cast %parallel_loop3A_1146 : i32 to index
      %parallel_loop3A_1148 = tpu.vector_load %arg6[%parallel_loop3A_1147] {strides = array<i32>} : memref<25600xi32, #tpu.memory_space<vmem>>, vector<16xi32>,
      %parallel_loop3A_1149 = arith.addi %mul3A_164, %parallel_loop3A_1148 : vector<16xi32>
      tpu.vector_store_idx %arg7[%parallel_loop3A_1149], %broadcast_in_dim3A_166 {add = true} : memref<1024xi32, #tpu.memory_space<vmem>>[vector<16xi32>], vector<16xi32>,
    } {sc.loop_unroll_factor = 16 : i64, sc.parallel_access}
    %dma_wait3A_174 = arith.constant 6400 : i32
    %dma_wait3A_175 = tpu.memref_slice %arg6[%dma_wait3A_174] : memref<25600xi32, #tpu.memory_space<vmem>> -> memref<6400xi32, #tpu.memory_space<vmem>>
    %dma_wait3A_176 = tpu.memref_slice %arg2[%add3A_11] : memref<819200xi32, #tpu.memory_space<hbm>> -> memref<6400xi32, #tpu.memory_space<hbm>>
    %dma_wait3A_177 = arith.constant 6400 : i32
    %dma_wait3A_178 = tpu.memref_slice %arg6[%dma_wait3A_177] : memref<25600xi32, #tpu.memory_space<vmem>> -> memref<6400xi32, #tpu.memory_space<vmem>>
    %dma_wait3A_179 = tpu.memref_slice %arg2[%add3A_11] : memref<819200xi32, #tpu.memory_space<hbm>> -> memref<6400xi32, #tpu.memory_space<hbm>>
    tpu.wait_dma2 semaphore(%arg12 : memref<!tpu.dma_semaphore, #tpu.memory_space<semaphore_mem>>) src(%dma_wait3A_179 : memref<6400xi32, #tpu.memory_space<hbm>>) dst(%dma_wait3A_178 : memref<6400xi32, #tpu.memory_space<vmem>>)
    %parallel_loop3A_180 = arith.constant 400 : i32
    %parallel_loop3A_181 = arith.constant 800 : i32
    %parallel_loop3A_182 = arith.constant 1 : i32
    scf.for %parallel_loop3A_1144 = %parallel_loop3A_180 to %parallel_loop3A_181 step %parallel_loop3A_182  : i32 {
      %parallel_loop3A_1145 = arith.constant 16 : i32
      %parallel_loop3A_1146 = arith.muli %parallel_loop3A_1144, %parallel_loop3A_1145 : i32
      %parallel_loop3A_1147 = arith.index_cast %parallel_loop3A_1146 : i32 to index
      %parallel_loop3A_1148 = tpu.vector_load %arg6[%parallel_loop3A_1147] {strides = array<i32>} : memref<25600xi32, #tpu.memory_space<vmem>>, vector<16xi32>,
      %parallel_loop3A_1149 = arith.addi %mul3A_164, %parallel_loop3A_1148 : vector<16xi32>
      tpu.vector_store_idx %arg7[%parallel_loop3A_1149], %broadcast_in_dim3A_166 {add = true} : memref<1024xi32, #tpu.memory_space<vmem>>[vector<16xi32>], vector<16xi32>,
    } {sc.loop_unroll_factor = 16 : i64, sc.parallel_access}
    %dma_wait3A_183 = arith.constant 12800 : i32
    %dma_wait3A_184 = tpu.memref_slice %arg6[%dma_wait3A_183] : memref<25600xi32, #tpu.memory_space<vmem>> -> memref<6400xi32, #tpu.memory_space<vmem>>
    %dma_wait3A_185 = tpu.memref_slice %arg2[%add3A_19] : memref<819200xi32, #tpu.memory_space<hbm>> -> memref<6400xi32, #tpu.memory_space<hbm>>
    %dma_wait3A_186 = arith.constant 12800 : i32
    %dma_wait3A_187 = tpu.memref_slice %arg6[%dma_wait3A_186] : memref<25600xi32, #tpu.memory_space<vmem>> -> memref<6400xi32, #tpu.memory_space<vmem>>
    %dma_wait3A_188 = tpu.memref_slice %arg2[%add3A_19] : memref<819200xi32, #tpu.memory_space<hbm>> -> memref<6400xi32, #tpu.memory_space<hbm>>
    tpu.wait_dma2 semaphore(%arg13 : memref<!tpu.dma_semaphore, #tpu.memory_space<semaphore_mem>>) src(%dma_wait3A_188 : memref<6400xi32, #tpu.memory_space<hbm>>) dst(%dma_wait3A_187 : memref<6400xi32, #tpu.memory_space<vmem>>)
    %parallel_loop3A_189 = arith.constant 800 : i32
    %parallel_loop3A_190 = arith.constant 1200 : i32
    %parallel_loop3A_191 = arith.constant 1 : i32
    scf.for %parallel_loop3A_1144 = %parallel_loop3A_189 to %parallel_loop3A_190 step %parallel_loop3A_191  : i32 {
      %parallel_loop3A_1145 = arith.constant 16 : i32
      %parallel_loop3A_1146 = arith.muli %parallel_loop3A_1144, %parallel_loop3A_1145 : i32
      %parallel_loop3A_1147 = arith.index_cast %parallel_loop3A_1146 : i32 to index
      %parallel_loop3A_1148 = tpu.vector_load %arg6[%parallel_loop3A_1147] {strides = array<i32>} : memref<25600xi32, #tpu.memory_space<vmem>>, vector<16xi32>,
      %parallel_loop3A_1149 = arith.addi %mul3A_164, %parallel_loop3A_1148 : vector<16xi32>
      tpu.vector_store_idx %arg7[%parallel_loop3A_1149], %broadcast_in_dim3A_166 {add = true} : memref<1024xi32, #tpu.memory_space<vmem>>[vector<16xi32>], vector<16xi32>,
    } {sc.loop_unroll_factor = 16 : i64, sc.parallel_access}
    %dma_wait3A_192 = arith.constant 19200 : i32
    %dma_wait3A_193 = tpu.memref_slice %arg6[%dma_wait3A_192] : memref<25600xi32, #tpu.memory_space<vmem>> -> memref<6400xi32, #tpu.memory_space<vmem>>
    %dma_wait3A_194 = tpu.memref_slice %arg2[%add3A_27] : memref<819200xi32, #tpu.memory_space<hbm>> -> memref<6400xi32, #tpu.memory_space<hbm>>
    %dma_wait3A_195 = arith.constant 19200 : i32
    %dma_wait3A_196 = tpu.memref_slice %arg6[%dma_wait3A_195] : memref<25600xi32, #tpu.memory_space<vmem>> -> memref<6400xi32, #tpu.memory_space<vmem>>
    %dma_wait3A_197 = tpu.memref_slice %arg2[%add3A_27] : memref<819200xi32, #tpu.memory_space<hbm>> -> memref<6400xi32, #tpu.memory_space<hbm>>
    tpu.wait_dma2 semaphore(%arg14 : memref<!tpu.dma_semaphore, #tpu.memory_space<semaphore_mem>>) src(%dma_wait3A_197 : memref<6400xi32, #tpu.memory_space<hbm>>) dst(%dma_wait3A_196 : memref<6400xi32, #tpu.memory_space<vmem>>)
    %parallel_loop3A_198 = arith.constant 1200 : i32
    %parallel_loop3A_199 = arith.constant 1600 : i32
    %parallel_loop3A_200 = arith.constant 1 : i32
    scf.for %parallel_loop3A_1144 = %parallel_loop3A_198 to %parallel_loop3A_199 step %parallel_loop3A_200  : i32 {
      %parallel_loop3A_1145 = arith.constant 16 : i32
      %parallel_loop3A_1146 = arith.muli %parallel_loop3A_1144, %parallel_loop3A_1145 : i32
      %parallel_loop3A_1147 = arith.index_cast %parallel_loop3A_1146 : i32 to index
      %parallel_loop3A_1148 = tpu.vector_load %arg6[%parallel_loop3A_1147] {strides = array<i32>} : memref<25600xi32, #tpu.memory_space<vmem>>, vector<16xi32>,
      %parallel_loop3A_1149 = arith.addi %mul3A_164, %parallel_loop3A_1148 : vector<16xi32>
      tpu.vector_store_idx %arg7[%parallel_loop3A_1149], %broadcast_in_dim3A_166 {add = true} : memref<1024xi32, #tpu.memory_space<vmem>>[vector<16xi32>], vector<16xi32>,
    } {sc.loop_unroll_factor = 16 : i64, sc.parallel_access}
    tpu.wait_dma2 semaphore(%arg15 : memref<!tpu.dma_semaphore, #tpu.memory_space<semaphore_mem>>) src(%arg3 : memref<13x8xf32, #tpu.memory_space<hbm>>) dst(%arg8 : memref<13x8xf32, #tpu.memory_space<vmem>>)
    tpu.wait_dma2 semaphore(%arg16 : memref<!tpu.dma_semaphore, #tpu.memory_space<semaphore_mem>>) src(%arg4 : memref<4x4xf32, #tpu.memory_space<hbm>>) dst(%arg9 : memref<4x4xf32, #tpu.memory_space<vmem>>)
    %get3A = arith.constant 0 : index
    %get3A_201 = tpu.vector_load %arg7[%get3A] {strides = array<i32>} : memref<1024xi32, #tpu.memory_space<vmem>>, vector<16xi32>,
    %get3A_202 = arith.constant 64 : index
    %get3A_203 = tpu.vector_load %arg7[%get3A_202] {strides = array<i32>} : memref<1024xi32, #tpu.memory_space<vmem>>, vector<16xi32>,
    %add3A_204 = arith.addi %get3A_201, %get3A_203 : vector<16xi32>
    %get3A_205 = arith.constant 128 : index
    %get3A_206 = tpu.vector_load %arg7[%get3A_205] {strides = array<i32>} : memref<1024xi32, #tpu.memory_space<vmem>>, vector<16xi32>,
    %add3A_207 = arith.addi %add3A_204, %get3A_206 : vector<16xi32>
    %get3A_208 = arith.constant 192 : index
    %get3A_209 = tpu.vector_load %arg7[%get3A_208] {strides = array<i32>} : memref<1024xi32, #tpu.memory_space<vmem>>, vector<16xi32>,
    %add3A_210 = arith.addi %add3A_207, %get3A_209 : vector<16xi32>
    %get3A_211 = arith.constant 256 : index
    %get3A_212 = tpu.vector_load %arg7[%get3A_211] {strides = array<i32>} : memref<1024xi32, #tpu.memory_space<vmem>>, vector<16xi32>,
    %add3A_213 = arith.addi %add3A_210, %get3A_212 : vector<16xi32>
    %get3A_214 = arith.constant 320 : index
    %get3A_215 = tpu.vector_load %arg7[%get3A_214] {strides = array<i32>} : memref<1024xi32, #tpu.memory_space<vmem>>, vector<16xi32>,
    %add3A_216 = arith.addi %add3A_213, %get3A_215 : vector<16xi32>
    %get3A_217 = arith.constant 384 : index
    %get3A_218 = tpu.vector_load %arg7[%get3A_217] {strides = array<i32>} : memref<1024xi32, #tpu.memory_space<vmem>>, vector<16xi32>,
    %add3A_219 = arith.addi %add3A_216, %get3A_218 : vector<16xi32>
    %get3A_220 = arith.constant 448 : index
    %get3A_221 = tpu.vector_load %arg7[%get3A_220] {strides = array<i32>} : memref<1024xi32, #tpu.memory_space<vmem>>, vector<16xi32>,
    %add3A_222 = arith.addi %add3A_219, %get3A_221 : vector<16xi32>
    %get3A_223 = arith.constant 512 : index
    %get3A_224 = tpu.vector_load %arg7[%get3A_223] {strides = array<i32>} : memref<1024xi32, #tpu.memory_space<vmem>>, vector<16xi32>,
    %add3A_225 = arith.addi %add3A_222, %get3A_224 : vector<16xi32>
    %get3A_226 = arith.constant 576 : index
    %get3A_227 = tpu.vector_load %arg7[%get3A_226] {strides = array<i32>} : memref<1024xi32, #tpu.memory_space<vmem>>, vector<16xi32>,
    %add3A_228 = arith.addi %add3A_225, %get3A_227 : vector<16xi32>
    %get3A_229 = arith.constant 640 : index
    %get3A_230 = tpu.vector_load %arg7[%get3A_229] {strides = array<i32>} : memref<1024xi32, #tpu.memory_space<vmem>>, vector<16xi32>,
    %add3A_231 = arith.addi %add3A_228, %get3A_230 : vector<16xi32>
    %get3A_232 = arith.constant 704 : index
    %get3A_233 = tpu.vector_load %arg7[%get3A_232] {strides = array<i32>} : memref<1024xi32, #tpu.memory_space<vmem>>, vector<16xi32>,
    %add3A_234 = arith.addi %add3A_231, %get3A_233 : vector<16xi32>
    %get3A_235 = arith.constant 768 : index
    %get3A_236 = tpu.vector_load %arg7[%get3A_235] {strides = array<i32>} : memref<1024xi32, #tpu.memory_space<vmem>>, vector<16xi32>,
    %add3A_237 = arith.addi %add3A_234, %get3A_236 : vector<16xi32>
    %get3A_238 = arith.constant 832 : index
    %get3A_239 = tpu.vector_load %arg7[%get3A_238] {strides = array<i32>} : memref<1024xi32, #tpu.memory_space<vmem>>, vector<16xi32>,
    %add3A_240 = arith.addi %add3A_237, %get3A_239 : vector<16xi32>
    %get3A_241 = arith.constant 896 : index
    %get3A_242 = tpu.vector_load %arg7[%get3A_241] {strides = array<i32>} : memref<1024xi32, #tpu.memory_space<vmem>>, vector<16xi32>,
    %add3A_243 = arith.addi %add3A_240, %get3A_242 : vector<16xi32>
    %get3A_244 = arith.constant 960 : index
    %get3A_245 = tpu.vector_load %arg7[%get3A_244] {strides = array<i32>} : memref<1024xi32, #tpu.memory_space<vmem>>, vector<16xi32>,
    %add3A_246 = arith.addi %add3A_243, %get3A_245 : vector<16xi32>
    %convert_element_type3A = arith.sitofp %add3A_246 : vector<16xi32> to vector<16xf32>
    %get3A_247 = arith.constant 16 : index
    %get3A_248 = tpu.vector_load %arg7[%get3A_247] {strides = array<i32>} : memref<1024xi32, #tpu.memory_space<vmem>>, vector<16xi32>,
    %get3A_249 = arith.constant 80 : index
    %get3A_250 = tpu.vector_load %arg7[%get3A_249] {strides = array<i32>} : memref<1024xi32, #tpu.memory_space<vmem>>, vector<16xi32>,
    %add3A_251 = arith.addi %get3A_248, %get3A_250 : vector<16xi32>
    %get3A_252 = arith.constant 144 : index
    %get3A_253 = tpu.vector_load %arg7[%get3A_252] {strides = array<i32>} : memref<1024xi32, #tpu.memory_space<vmem>>, vector<16xi32>,
    %add3A_254 = arith.addi %add3A_251, %get3A_253 : vector<16xi32>
    %get3A_255 = arith.constant 208 : index
    %get3A_256 = tpu.vector_load %arg7[%get3A_255] {strides = array<i32>} : memref<1024xi32, #tpu.memory_space<vmem>>, vector<16xi32>,
    %add3A_257 = arith.addi %add3A_254, %get3A_256 : vector<16xi32>
    %get3A_258 = arith.constant 272 : index
    %get3A_259 = tpu.vector_load %arg7[%get3A_258] {strides = array<i32>} : memref<1024xi32, #tpu.memory_space<vmem>>, vector<16xi32>,
    %add3A_260 = arith.addi %add3A_257, %get3A_259 : vector<16xi32>
    %get3A_261 = arith.constant 336 : index
    %get3A_262 = tpu.vector_load %arg7[%get3A_261] {strides = array<i32>} : memref<1024xi32, #tpu.memory_space<vmem>>, vector<16xi32>,
    %add3A_263 = arith.addi %add3A_260, %get3A_262 : vector<16xi32>
    %get3A_264 = arith.constant 400 : index
    %get3A_265 = tpu.vector_load %arg7[%get3A_264] {strides = array<i32>} : memref<1024xi32, #tpu.memory_space<vmem>>, vector<16xi32>,
    %add3A_266 = arith.addi %add3A_263, %get3A_265 : vector<16xi32>
    %get3A_267 = arith.constant 464 : index
    %get3A_268 = tpu.vector_load %arg7[%get3A_267] {strides = array<i32>} : memref<1024xi32, #tpu.memory_space<vmem>>, vector<16xi32>,
    %add3A_269 = arith.addi %add3A_266, %get3A_268 : vector<16xi32>
    %get3A_270 = arith.constant 528 : index
    %get3A_271 = tpu.vector_load %arg7[%get3A_270] {strides = array<i32>} : memref<1024xi32, #tpu.memory_space<vmem>>, vector<16xi32>,
    %add3A_272 = arith.addi %add3A_269, %get3A_271 : vector<16xi32>
    %get3A_273 = arith.constant 592 : index
    %get3A_274 = tpu.vector_load %arg7[%get3A_273] {strides = array<i32>} : memref<1024xi32, #tpu.memory_space<vmem>>, vector<16xi32>,
    %add3A_275 = arith.addi %add3A_272, %get3A_274 : vector<16xi32>
    %get3A_276 = arith.constant 656 : index
    %get3A_277 = tpu.vector_load %arg7[%get3A_276] {strides = array<i32>} : memref<1024xi32, #tpu.memory_space<vmem>>, vector<16xi32>,
    %add3A_278 = arith.addi %add3A_275, %get3A_277 : vector<16xi32>
    %get3A_279 = arith.constant 720 : index
    %get3A_280 = tpu.vector_load %arg7[%get3A_279] {strides = array<i32>} : memref<1024xi32, #tpu.memory_space<vmem>>, vector<16xi32>,
    %add3A_281 = arith.addi %add3A_278, %get3A_280 : vector<16xi32>
    %get3A_282 = arith.constant 784 : index
    %get3A_283 = tpu.vector_load %arg7[%get3A_282] {strides = array<i32>} : memref<1024xi32, #tpu.memory_space<vmem>>, vector<16xi32>,
    %add3A_284 = arith.addi %add3A_281, %get3A_283 : vector<16xi32>
    %get3A_285 = arith.constant 848 : index
    %get3A_286 = tpu.vector_load %arg7[%get3A_285] {strides = array<i32>} : memref<1024xi32, #tpu.memory_space<vmem>>, vector<16xi32>,
    %add3A_287 = arith.addi %add3A_284, %get3A_286 : vector<16xi32>
    %get3A_288 = arith.constant 912 : index
    %get3A_289 = tpu.vector_load %arg7[%get3A_288] {strides = array<i32>} : memref<1024xi32, #tpu.memory_space<vmem>>, vector<16xi32>,
    %add3A_290 = arith.addi %add3A_287, %get3A_289 : vector<16xi32>
    %get3A_291 = arith.constant 976 : index
    %get3A_292 = tpu.vector_load %arg7[%get3A_291] {strides = array<i32>} : memref<1024xi32, #tpu.memory_space<vmem>>, vector<16xi32>,
    %add3A_293 = arith.addi %add3A_290, %get3A_292 : vector<16xi32>
    %convert_element_type3A_294 = arith.sitofp %add3A_293 : vector<16xi32> to vector<16xf32>
    %get3A_295 = arith.constant 32 : index
    %get3A_296 = tpu.vector_load %arg7[%get3A_295] {strides = array<i32>} : memref<1024xi32, #tpu.memory_space<vmem>>, vector<16xi32>,
    %get3A_297 = arith.constant 96 : index
    %get3A_298 = tpu.vector_load %arg7[%get3A_297] {strides = array<i32>} : memref<1024xi32, #tpu.memory_space<vmem>>, vector<16xi32>,
    %add3A_299 = arith.addi %get3A_296, %get3A_298 : vector<16xi32>
    %get3A_300 = arith.constant 160 : index
    %get3A_301 = tpu.vector_load %arg7[%get3A_300] {strides = array<i32>} : memref<1024xi32, #tpu.memory_space<vmem>>, vector<16xi32>,
    %add3A_302 = arith.addi %add3A_299, %get3A_301 : vector<16xi32>
    %get3A_303 = arith.constant 224 : index
    %get3A_304 = tpu.vector_load %arg7[%get3A_303] {strides = array<i32>} : memref<1024xi32, #tpu.memory_space<vmem>>, vector<16xi32>,
    %add3A_305 = arith.addi %add3A_302, %get3A_304 : vector<16xi32>
    %get3A_306 = arith.constant 288 : index
    %get3A_307 = tpu.vector_load %arg7[%get3A_306] {strides = array<i32>} : memref<1024xi32, #tpu.memory_space<vmem>>, vector<16xi32>,
    %add3A_308 = arith.addi %add3A_305, %get3A_307 : vector<16xi32>
    %get3A_309 = arith.constant 352 : index
    %get3A_310 = tpu.vector_load %arg7[%get3A_309] {strides = array<i32>} : memref<1024xi32, #tpu.memory_space<vmem>>, vector<16xi32>,
    %add3A_311 = arith.addi %add3A_308, %get3A_310 : vector<16xi32>
    %get3A_312 = arith.constant 416 : index
    %get3A_313 = tpu.vector_load %arg7[%get3A_312] {strides = array<i32>} : memref<1024xi32, #tpu.memory_space<vmem>>, vector<16xi32>,
    %add3A_314 = arith.addi %add3A_311, %get3A_313 : vector<16xi32>
    %get3A_315 = arith.constant 480 : index
    %get3A_316 = tpu.vector_load %arg7[%get3A_315] {strides = array<i32>} : memref<1024xi32, #tpu.memory_space<vmem>>, vector<16xi32>,
    %add3A_317 = arith.addi %add3A_314, %get3A_316 : vector<16xi32>
    %get3A_318 = arith.constant 544 : index
    %get3A_319 = tpu.vector_load %arg7[%get3A_318] {strides = array<i32>} : memref<1024xi32, #tpu.memory_space<vmem>>, vector<16xi32>,
    %add3A_320 = arith.addi %add3A_317, %get3A_319 : vector<16xi32>
    %get3A_321 = arith.constant 608 : index
    %get3A_322 = tpu.vector_load %arg7[%get3A_321] {strides = array<i32>} : memref<1024xi32, #tpu.memory_space<vmem>>, vector<16xi32>,
    %add3A_323 = arith.addi %add3A_320, %get3A_322 : vector<16xi32>
    %get3A_324 = arith.constant 672 : index
    %get3A_325 = tpu.vector_load %arg7[%get3A_324] {strides = array<i32>} : memref<1024xi32, #tpu.memory_space<vmem>>, vector<16xi32>,
    %add3A_326 = arith.addi %add3A_323, %get3A_325 : vector<16xi32>
    %get3A_327 = arith.constant 736 : index
    %get3A_328 = tpu.vector_load %arg7[%get3A_327] {strides = array<i32>} : memref<1024xi32, #tpu.memory_space<vmem>>, vector<16xi32>,
    %add3A_329 = arith.addi %add3A_326, %get3A_328 : vector<16xi32>
    %get3A_330 = arith.constant 800 : index
    %get3A_331 = tpu.vector_load %arg7[%get3A_330] {strides = array<i32>} : memref<1024xi32, #tpu.memory_space<vmem>>, vector<16xi32>,
    %add3A_332 = arith.addi %add3A_329, %get3A_331 : vector<16xi32>
    %get3A_333 = arith.constant 864 : index
    %get3A_334 = tpu.vector_load %arg7[%get3A_333] {strides = array<i32>} : memref<1024xi32, #tpu.memory_space<vmem>>, vector<16xi32>,
    %add3A_335 = arith.addi %add3A_332, %get3A_334 : vector<16xi32>
    %get3A_336 = arith.constant 928 : index
    %get3A_337 = tpu.vector_load %arg7[%get3A_336] {strides = array<i32>} : memref<1024xi32, #tpu.memory_space<vmem>>, vector<16xi32>,
    %add3A_338 = arith.addi %add3A_335, %get3A_337 : vector<16xi32>
    %get3A_339 = arith.constant 992 : index
    %get3A_340 = tpu.vector_load %arg7[%get3A_339] {strides = array<i32>} : memref<1024xi32, #tpu.memory_space<vmem>>, vector<16xi32>,
    %add3A_341 = arith.addi %add3A_338, %get3A_340 : vector<16xi32>
    %convert_element_type3A_342 = arith.sitofp %add3A_341 : vector<16xi32> to vector<16xf32>
    %get3A_343 = arith.constant 48 : index
    %get3A_344 = tpu.vector_load %arg7[%get3A_343] {strides = array<i32>} : memref<1024xi32, #tpu.memory_space<vmem>>, vector<16xi32>,
    %get3A_345 = arith.constant 112 : index
    %get3A_346 = tpu.vector_load %arg7[%get3A_345] {strides = array<i32>} : memref<1024xi32, #tpu.memory_space<vmem>>, vector<16xi32>,
    %add3A_347 = arith.addi %get3A_344, %get3A_346 : vector<16xi32>
    %get3A_348 = arith.constant 176 : index
    %get3A_349 = tpu.vector_load %arg7[%get3A_348] {strides = array<i32>} : memref<1024xi32, #tpu.memory_space<vmem>>, vector<16xi32>,
    %add3A_350 = arith.addi %add3A_347, %get3A_349 : vector<16xi32>
    %get3A_351 = arith.constant 240 : index
    %get3A_352 = tpu.vector_load %arg7[%get3A_351] {strides = array<i32>} : memref<1024xi32, #tpu.memory_space<vmem>>, vector<16xi32>,
    %add3A_353 = arith.addi %add3A_350, %get3A_352 : vector<16xi32>
    %get3A_354 = arith.constant 304 : index
    %get3A_355 = tpu.vector_load %arg7[%get3A_354] {strides = array<i32>} : memref<1024xi32, #tpu.memory_space<vmem>>, vector<16xi32>,
    %add3A_356 = arith.addi %add3A_353, %get3A_355 : vector<16xi32>
    %get3A_357 = arith.constant 368 : index
    %get3A_358 = tpu.vector_load %arg7[%get3A_357] {strides = array<i32>} : memref<1024xi32, #tpu.memory_space<vmem>>, vector<16xi32>,
    %add3A_359 = arith.addi %add3A_356, %get3A_358 : vector<16xi32>
    %get3A_360 = arith.constant 432 : index
    %get3A_361 = tpu.vector_load %arg7[%get3A_360] {strides = array<i32>} : memref<1024xi32, #tpu.memory_space<vmem>>, vector<16xi32>,
    %add3A_362 = arith.addi %add3A_359, %get3A_361 : vector<16xi32>
    %get3A_363 = arith.constant 496 : index
    %get3A_364 = tpu.vector_load %arg7[%get3A_363] {strides = array<i32>} : memref<1024xi32, #tpu.memory_space<vmem>>, vector<16xi32>,
    %add3A_365 = arith.addi %add3A_362, %get3A_364 : vector<16xi32>
    %get3A_366 = arith.constant 560 : index
    %get3A_367 = tpu.vector_load %arg7[%get3A_366] {strides = array<i32>} : memref<1024xi32, #tpu.memory_space<vmem>>, vector<16xi32>,
    %add3A_368 = arith.addi %add3A_365, %get3A_367 : vector<16xi32>
    %get3A_369 = arith.constant 624 : index
    %get3A_370 = tpu.vector_load %arg7[%get3A_369] {strides = array<i32>} : memref<1024xi32, #tpu.memory_space<vmem>>, vector<16xi32>,
    %add3A_371 = arith.addi %add3A_368, %get3A_370 : vector<16xi32>
    %get3A_372 = arith.constant 688 : index
    %get3A_373 = tpu.vector_load %arg7[%get3A_372] {strides = array<i32>} : memref<1024xi32, #tpu.memory_space<vmem>>, vector<16xi32>,
    %add3A_374 = arith.addi %add3A_371, %get3A_373 : vector<16xi32>
    %get3A_375 = arith.constant 752 : index
    %get3A_376 = tpu.vector_load %arg7[%get3A_375] {strides = array<i32>} : memref<1024xi32, #tpu.memory_space<vmem>>, vector<16xi32>,
    %add3A_377 = arith.addi %add3A_374, %get3A_376 : vector<16xi32>
    %get3A_378 = arith.constant 816 : index
    %get3A_379 = tpu.vector_load %arg7[%get3A_378] {strides = array<i32>} : memref<1024xi32, #tpu.memory_space<vmem>>, vector<16xi32>,
    %add3A_380 = arith.addi %add3A_377, %get3A_379 : vector<16xi32>
    %get3A_381 = arith.constant 880 : index
    %get3A_382 = tpu.vector_load %arg7[%get3A_381] {strides = array<i32>} : memref<1024xi32, #tpu.memory_space<vmem>>, vector<16xi32>,
    %add3A_383 = arith.addi %add3A_380, %get3A_382 : vector<16xi32>
    %get3A_384 = arith.constant 944 : index
    %get3A_385 = tpu.vector_load %arg7[%get3A_384] {strides = array<i32>} : memref<1024xi32, #tpu.memory_space<vmem>>, vector<16xi32>,
    %add3A_386 = arith.addi %add3A_383, %get3A_385 : vector<16xi32>
    %get3A_387 = arith.constant 1008 : index
    %get3A_388 = tpu.vector_load %arg7[%get3A_387] {strides = array<i32>} : memref<1024xi32, #tpu.memory_space<vmem>>, vector<16xi32>,
    %add3A_389 = arith.addi %add3A_386, %get3A_388 : vector<16xi32>
    %convert_element_type3A_390 = arith.sitofp %add3A_389 : vector<16xi32> to vector<16xf32>
    %and3A = arith.constant 7 : i32
    %and3A_391 = vector.broadcast %and3A : i32 to vector<16xi32>
    %and3A_392 = arith.andi %iota3A, %and3A_391 : vector<16xi32>
    %and3A_393 = arith.constant 3 : i32
    %and3A_394 = vector.broadcast %and3A_393 : i32 to vector<16xi32>
    %and3A_395 = arith.andi %iota3A, %and3A_394 : vector<16xi32>
    %lt3A = arith.constant 8 : i32
    %lt3A_396 = vector.broadcast %lt3A : i32 to vector<16xi32>
    %lt3A_397 = arith.cmpi slt, %iota3A, %lt3A_396 : vector<16xi32>
    %jit3A = arith.constant 1.000000e+00 : f32
    %jit3A_398 = arith.constant 0.000000e+00 : f32
    %broadcast_in_dim3A_399 = vector.broadcast %jit3A : f32 to vector<16xf32>
    %broadcast_in_dim3A_400 = vector.broadcast %jit3A_398 : f32 to vector<16xf32>
    %select_n3A = arith.select %lt3A_397, %broadcast_in_dim3A_399, %broadcast_in_dim3A_400 : vector<16xi1>, vector<16xf32>
    %ge3A = arith.constant 8 : i32
    %ge3A_401 = vector.broadcast %ge3A : i32 to vector<16xi32>
    %ge3A_402 = arith.cmpi sge, %iota3A, %ge3A_401 : vector<16xi32>
    %lt3A_403 = arith.constant 12 : i32
    %lt3A_404 = vector.broadcast %lt3A_403 : i32 to vector<16xi32>
    %lt3A_405 = arith.cmpi slt, %iota3A, %lt3A_404 : vector<16xi32>
    %and3A_406 = arith.andi %ge3A_402, %lt3A_405 : vector<16xi1>
    %jit3A_407 = arith.constant 1.000000e+00 : f32
    %jit3A_408 = arith.constant 0.000000e+00 : f32
    %broadcast_in_dim3A_409 = vector.broadcast %jit3A_407 : f32 to vector<16xf32>
    %broadcast_in_dim3A_410 = vector.broadcast %jit3A_408 : f32 to vector<16xf32>
    %select_n3A_411 = arith.select %and3A_406, %broadcast_in_dim3A_409, %broadcast_in_dim3A_410 : vector<16xi1>, vector<16xf32>
    %broadcast_in_dim3A_412 = arith.constant 0.000000e+00 : f32
    %broadcast_in_dim3A_413 = vector.broadcast %broadcast_in_dim3A_412 : f32 to vector<16xf32>
    %slice3A = vector.extract_strided_slice %convert_element_type3A {offsets = [0], sizes = [1], strides = [1]} : vector<16xf32> to vector<1xf32>
    %squeeze3A = vector.extract %slice3A[0] : f32 from vector<1xf32>
    %broadcast_in_dim3A_414 = arith.constant 0 : i32
    %broadcast_in_dim3A_415 = vector.broadcast %broadcast_in_dim3A_414 : i32 to vector<16xi32>
    %gather3A = tpu.vector_load_idx %arg8[%broadcast_in_dim3A_415, %and3A_392] : memref<13x8xf32, #tpu.memory_space<vmem>>[vector<16xi32>, vector<16xi32>], vector<16xf32>,
    %broadcast_in_dim3A_416 = arith.constant 0 : i32
    %broadcast_in_dim3A_417 = vector.broadcast %broadcast_in_dim3A_416 : i32 to vector<16xi32>
    %gather3A_418 = tpu.vector_load_idx %arg9[%broadcast_in_dim3A_417, %and3A_395] : memref<4x4xf32, #tpu.memory_space<vmem>>[vector<16xi32>, vector<16xi32>], vector<16xf32>,
    %mul3A_419 = arith.mulf %gather3A, %select_n3A : vector<16xf32>
    %mul3A_420 = arith.mulf %gather3A_418, %select_n3A_411 : vector<16xf32>
    %add3A_421 = arith.addf %mul3A_419, %mul3A_420 : vector<16xf32>
    %mul3A_422 = vector.broadcast %squeeze3A : f32 to vector<16xf32>
    %mul3A_423 = arith.mulf %mul3A_422, %add3A_421 : vector<16xf32>
    %add3A_424 = arith.addf %broadcast_in_dim3A_413, %mul3A_423 : vector<16xf32>
    %slice3A_425 = vector.extract_strided_slice %convert_element_type3A {offsets = [1], sizes = [1], strides = [1]} : vector<16xf32> to vector<1xf32>
    %squeeze3A_426 = vector.extract %slice3A_425[0] : f32 from vector<1xf32>
    %broadcast_in_dim3A_427 = arith.constant 1 : i32
    %broadcast_in_dim3A_428 = vector.broadcast %broadcast_in_dim3A_427 : i32 to vector<16xi32>
    %gather3A_429 = tpu.vector_load_idx %arg8[%broadcast_in_dim3A_428, %and3A_392] : memref<13x8xf32, #tpu.memory_space<vmem>>[vector<16xi32>, vector<16xi32>], vector<16xf32>,
    %broadcast_in_dim3A_430 = arith.constant 0 : i32
    %broadcast_in_dim3A_431 = vector.broadcast %broadcast_in_dim3A_430 : i32 to vector<16xi32>
    %gather3A_432 = tpu.vector_load_idx %arg9[%broadcast_in_dim3A_431, %and3A_395] : memref<4x4xf32, #tpu.memory_space<vmem>>[vector<16xi32>, vector<16xi32>], vector<16xf32>,
    %mul3A_433 = arith.mulf %gather3A_429, %select_n3A : vector<16xf32>
    %mul3A_434 = arith.mulf %gather3A_432, %select_n3A_411 : vector<16xf32>
    %add3A_435 = arith.addf %mul3A_433, %mul3A_434 : vector<16xf32>
    %mul3A_436 = vector.broadcast %squeeze3A_426 : f32 to vector<16xf32>
    %mul3A_437 = arith.mulf %mul3A_436, %add3A_435 : vector<16xf32>
    %add3A_438 = arith.addf %add3A_424, %mul3A_437 : vector<16xf32>
    %slice3A_439 = vector.extract_strided_slice %convert_element_type3A {offsets = [2], sizes = [1], strides = [1]} : vector<16xf32> to vector<1xf32>
    %squeeze3A_440 = vector.extract %slice3A_439[0] : f32 from vector<1xf32>
    %broadcast_in_dim3A_441 = arith.constant 2 : i32
    %broadcast_in_dim3A_442 = vector.broadcast %broadcast_in_dim3A_441 : i32 to vector<16xi32>
    %gather3A_443 = tpu.vector_load_idx %arg8[%broadcast_in_dim3A_442, %and3A_392] : memref<13x8xf32, #tpu.memory_space<vmem>>[vector<16xi32>, vector<16xi32>], vector<16xf32>,
    %broadcast_in_dim3A_444 = arith.constant 0 : i32
    %broadcast_in_dim3A_445 = vector.broadcast %broadcast_in_dim3A_444 : i32 to vector<16xi32>
    %gather3A_446 = tpu.vector_load_idx %arg9[%broadcast_in_dim3A_445, %and3A_395] : memref<4x4xf32, #tpu.memory_space<vmem>>[vector<16xi32>, vector<16xi32>], vector<16xf32>,
    %mul3A_447 = arith.mulf %gather3A_443, %select_n3A : vector<16xf32>
    %mul3A_448 = arith.mulf %gather3A_446, %select_n3A_411 : vector<16xf32>
    %add3A_449 = arith.addf %mul3A_447, %mul3A_448 : vector<16xf32>
    %mul3A_450 = vector.broadcast %squeeze3A_440 : f32 to vector<16xf32>
    %mul3A_451 = arith.mulf %mul3A_450, %add3A_449 : vector<16xf32>
    %add3A_452 = arith.addf %add3A_438, %mul3A_451 : vector<16xf32>
    %slice3A_453 = vector.extract_strided_slice %convert_element_type3A {offsets = [3], sizes = [1], strides = [1]} : vector<16xf32> to vector<1xf32>
    %squeeze3A_454 = vector.extract %slice3A_453[0] : f32 from vector<1xf32>
    %broadcast_in_dim3A_455 = arith.constant 3 : i32
    %broadcast_in_dim3A_456 = vector.broadcast %broadcast_in_dim3A_455 : i32 to vector<16xi32>
    %gather3A_457 = tpu.vector_load_idx %arg8[%broadcast_in_dim3A_456, %and3A_392] : memref<13x8xf32, #tpu.memory_space<vmem>>[vector<16xi32>, vector<16xi32>], vector<16xf32>,
    %broadcast_in_dim3A_458 = arith.constant 0 : i32
    %broadcast_in_dim3A_459 = vector.broadcast %broadcast_in_dim3A_458 : i32 to vector<16xi32>
    %gather3A_460 = tpu.vector_load_idx %arg9[%broadcast_in_dim3A_459, %and3A_395] : memref<4x4xf32, #tpu.memory_space<vmem>>[vector<16xi32>, vector<16xi32>], vector<16xf32>,
    %mul3A_461 = arith.mulf %gather3A_457, %select_n3A : vector<16xf32>
    %mul3A_462 = arith.mulf %gather3A_460, %select_n3A_411 : vector<16xf32>
    %add3A_463 = arith.addf %mul3A_461, %mul3A_462 : vector<16xf32>
    %mul3A_464 = vector.broadcast %squeeze3A_454 : f32 to vector<16xf32>
    %mul3A_465 = arith.mulf %mul3A_464, %add3A_463 : vector<16xf32>
    %add3A_466 = arith.addf %add3A_452, %mul3A_465 : vector<16xf32>
    %slice3A_467 = vector.extract_strided_slice %convert_element_type3A {offsets = [4], sizes = [1], strides = [1]} : vector<16xf32> to vector<1xf32>
    %squeeze3A_468 = vector.extract %slice3A_467[0] : f32 from vector<1xf32>
    %broadcast_in_dim3A_469 = arith.constant 4 : i32
    %broadcast_in_dim3A_470 = vector.broadcast %broadcast_in_dim3A_469 : i32 to vector<16xi32>
    %gather3A_471 = tpu.vector_load_idx %arg8[%broadcast_in_dim3A_470, %and3A_392] : memref<13x8xf32, #tpu.memory_space<vmem>>[vector<16xi32>, vector<16xi32>], vector<16xf32>,
    %broadcast_in_dim3A_472 = arith.constant 0 : i32
    %broadcast_in_dim3A_473 = vector.broadcast %broadcast_in_dim3A_472 : i32 to vector<16xi32>
    %gather3A_474 = tpu.vector_load_idx %arg9[%broadcast_in_dim3A_473, %and3A_395] : memref<4x4xf32, #tpu.memory_space<vmem>>[vector<16xi32>, vector<16xi32>], vector<16xf32>,
    %mul3A_475 = arith.mulf %gather3A_471, %select_n3A : vector<16xf32>
    %mul3A_476 = arith.mulf %gather3A_474, %select_n3A_411 : vector<16xf32>
    %add3A_477 = arith.addf %mul3A_475, %mul3A_476 : vector<16xf32>
    %mul3A_478 = vector.broadcast %squeeze3A_468 : f32 to vector<16xf32>
    %mul3A_479 = arith.mulf %mul3A_478, %add3A_477 : vector<16xf32>
    %add3A_480 = arith.addf %add3A_466, %mul3A_479 : vector<16xf32>
    %slice3A_481 = vector.extract_strided_slice %convert_element_type3A {offsets = [5], sizes = [1], strides = [1]} : vector<16xf32> to vector<1xf32>
    %squeeze3A_482 = vector.extract %slice3A_481[0] : f32 from vector<1xf32>
    %broadcast_in_dim3A_483 = arith.constant 5 : i32
    %broadcast_in_dim3A_484 = vector.broadcast %broadcast_in_dim3A_483 : i32 to vector<16xi32>
    %gather3A_485 = tpu.vector_load_idx %arg8[%broadcast_in_dim3A_484, %and3A_392] : memref<13x8xf32, #tpu.memory_space<vmem>>[vector<16xi32>, vector<16xi32>], vector<16xf32>,
    %broadcast_in_dim3A_486 = arith.constant 0 : i32
    %broadcast_in_dim3A_487 = vector.broadcast %broadcast_in_dim3A_486 : i32 to vector<16xi32>
    %gather3A_488 = tpu.vector_load_idx %arg9[%broadcast_in_dim3A_487, %and3A_395] : memref<4x4xf32, #tpu.memory_space<vmem>>[vector<16xi32>, vector<16xi32>], vector<16xf32>,
    %mul3A_489 = arith.mulf %gather3A_485, %select_n3A : vector<16xf32>
    %mul3A_490 = arith.mulf %gather3A_488, %select_n3A_411 : vector<16xf32>
    %add3A_491 = arith.addf %mul3A_489, %mul3A_490 : vector<16xf32>
    %mul3A_492 = vector.broadcast %squeeze3A_482 : f32 to vector<16xf32>
    %mul3A_493 = arith.mulf %mul3A_492, %add3A_491 : vector<16xf32>
    %add3A_494 = arith.addf %add3A_480, %mul3A_493 : vector<16xf32>
    %slice3A_495 = vector.extract_strided_slice %convert_element_type3A {offsets = [6], sizes = [1], strides = [1]} : vector<16xf32> to vector<1xf32>
    %squeeze3A_496 = vector.extract %slice3A_495[0] : f32 from vector<1xf32>
    %broadcast_in_dim3A_497 = arith.constant 6 : i32
    %broadcast_in_dim3A_498 = vector.broadcast %broadcast_in_dim3A_497 : i32 to vector<16xi32>
    %gather3A_499 = tpu.vector_load_idx %arg8[%broadcast_in_dim3A_498, %and3A_392] : memref<13x8xf32, #tpu.memory_space<vmem>>[vector<16xi32>, vector<16xi32>], vector<16xf32>,
    %broadcast_in_dim3A_500 = arith.constant 0 : i32
    %broadcast_in_dim3A_501 = vector.broadcast %broadcast_in_dim3A_500 : i32 to vector<16xi32>
    %gather3A_502 = tpu.vector_load_idx %arg9[%broadcast_in_dim3A_501, %and3A_395] : memref<4x4xf32, #tpu.memory_space<vmem>>[vector<16xi32>, vector<16xi32>], vector<16xf32>,
    %mul3A_503 = arith.mulf %gather3A_499, %select_n3A : vector<16xf32>
    %mul3A_504 = arith.mulf %gather3A_502, %select_n3A_411 : vector<16xf32>
    %add3A_505 = arith.addf %mul3A_503, %mul3A_504 : vector<16xf32>
    %mul3A_506 = vector.broadcast %squeeze3A_496 : f32 to vector<16xf32>
    %mul3A_507 = arith.mulf %mul3A_506, %add3A_505 : vector<16xf32>
    %add3A_508 = arith.addf %add3A_494, %mul3A_507 : vector<16xf32>
    %slice3A_509 = vector.extract_strided_slice %convert_element_type3A {offsets = [7], sizes = [1], strides = [1]} : vector<16xf32> to vector<1xf32>
    %squeeze3A_510 = vector.extract %slice3A_509[0] : f32 from vector<1xf32>
    %broadcast_in_dim3A_511 = arith.constant 7 : i32
    %broadcast_in_dim3A_512 = vector.broadcast %broadcast_in_dim3A_511 : i32 to vector<16xi32>
    %gather3A_513 = tpu.vector_load_idx %arg8[%broadcast_in_dim3A_512, %and3A_392] : memref<13x8xf32, #tpu.memory_space<vmem>>[vector<16xi32>, vector<16xi32>], vector<16xf32>,
    %broadcast_in_dim3A_514 = arith.constant 0 : i32
    %broadcast_in_dim3A_515 = vector.broadcast %broadcast_in_dim3A_514 : i32 to vector<16xi32>
    %gather3A_516 = tpu.vector_load_idx %arg9[%broadcast_in_dim3A_515, %and3A_395] : memref<4x4xf32, #tpu.memory_space<vmem>>[vector<16xi32>, vector<16xi32>], vector<16xf32>,
    %mul3A_517 = arith.mulf %gather3A_513, %select_n3A : vector<16xf32>
    %mul3A_518 = arith.mulf %gather3A_516, %select_n3A_411 : vector<16xf32>
    %add3A_519 = arith.addf %mul3A_517, %mul3A_518 : vector<16xf32>
    %mul3A_520 = vector.broadcast %squeeze3A_510 : f32 to vector<16xf32>
    %mul3A_521 = arith.mulf %mul3A_520, %add3A_519 : vector<16xf32>
    %add3A_522 = arith.addf %add3A_508, %mul3A_521 : vector<16xf32>
    %slice3A_523 = vector.extract_strided_slice %convert_element_type3A {offsets = [8], sizes = [1], strides = [1]} : vector<16xf32> to vector<1xf32>
    %squeeze3A_524 = vector.extract %slice3A_523[0] : f32 from vector<1xf32>
    %broadcast_in_dim3A_525 = arith.constant 8 : i32
    %broadcast_in_dim3A_526 = vector.broadcast %broadcast_in_dim3A_525 : i32 to vector<16xi32>
    %gather3A_527 = tpu.vector_load_idx %arg8[%broadcast_in_dim3A_526, %and3A_392] : memref<13x8xf32, #tpu.memory_space<vmem>>[vector<16xi32>, vector<16xi32>], vector<16xf32>,
    %broadcast_in_dim3A_528 = arith.constant 0 : i32
    %broadcast_in_dim3A_529 = vector.broadcast %broadcast_in_dim3A_528 : i32 to vector<16xi32>
    %gather3A_530 = tpu.vector_load_idx %arg9[%broadcast_in_dim3A_529, %and3A_395] : memref<4x4xf32, #tpu.memory_space<vmem>>[vector<16xi32>, vector<16xi32>], vector<16xf32>,
    %mul3A_531 = arith.mulf %gather3A_527, %select_n3A : vector<16xf32>
    %mul3A_532 = arith.mulf %gather3A_530, %select_n3A_411 : vector<16xf32>
    %add3A_533 = arith.addf %mul3A_531, %mul3A_532 : vector<16xf32>
    %mul3A_534 = vector.broadcast %squeeze3A_524 : f32 to vector<16xf32>
    %mul3A_535 = arith.mulf %mul3A_534, %add3A_533 : vector<16xf32>
    %add3A_536 = arith.addf %add3A_522, %mul3A_535 : vector<16xf32>
    %slice3A_537 = vector.extract_strided_slice %convert_element_type3A {offsets = [9], sizes = [1], strides = [1]} : vector<16xf32> to vector<1xf32>
    %squeeze3A_538 = vector.extract %slice3A_537[0] : f32 from vector<1xf32>
    %broadcast_in_dim3A_539 = arith.constant 9 : i32
    %broadcast_in_dim3A_540 = vector.broadcast %broadcast_in_dim3A_539 : i32 to vector<16xi32>
    %gather3A_541 = tpu.vector_load_idx %arg8[%broadcast_in_dim3A_540, %and3A_392] : memref<13x8xf32, #tpu.memory_space<vmem>>[vector<16xi32>, vector<16xi32>], vector<16xf32>,
    %broadcast_in_dim3A_542 = arith.constant 0 : i32
    %broadcast_in_dim3A_543 = vector.broadcast %broadcast_in_dim3A_542 : i32 to vector<16xi32>
    %gather3A_544 = tpu.vector_load_idx %arg9[%broadcast_in_dim3A_543, %and3A_395] : memref<4x4xf32, #tpu.memory_space<vmem>>[vector<16xi32>, vector<16xi32>], vector<16xf32>,
    %mul3A_545 = arith.mulf %gather3A_541, %select_n3A : vector<16xf32>
    %mul3A_546 = arith.mulf %gather3A_544, %select_n3A_411 : vector<16xf32>
    %add3A_547 = arith.addf %mul3A_545, %mul3A_546 : vector<16xf32>
    %mul3A_548 = vector.broadcast %squeeze3A_538 : f32 to vector<16xf32>
    %mul3A_549 = arith.mulf %mul3A_548, %add3A_547 : vector<16xf32>
    %add3A_550 = arith.addf %add3A_536, %mul3A_549 : vector<16xf32>
    %slice3A_551 = vector.extract_strided_slice %convert_element_type3A {offsets = [10], sizes = [1], strides = [1]} : vector<16xf32> to vector<1xf32>
    %squeeze3A_552 = vector.extract %slice3A_551[0] : f32 from vector<1xf32>
    %broadcast_in_dim3A_553 = arith.constant 10 : i32
    %broadcast_in_dim3A_554 = vector.broadcast %broadcast_in_dim3A_553 : i32 to vector<16xi32>
    %gather3A_555 = tpu.vector_load_idx %arg8[%broadcast_in_dim3A_554, %and3A_392] : memref<13x8xf32, #tpu.memory_space<vmem>>[vector<16xi32>, vector<16xi32>], vector<16xf32>,
    %broadcast_in_dim3A_556 = arith.constant 0 : i32
    %broadcast_in_dim3A_557 = vector.broadcast %broadcast_in_dim3A_556 : i32 to vector<16xi32>
    %gather3A_558 = tpu.vector_load_idx %arg9[%broadcast_in_dim3A_557, %and3A_395] : memref<4x4xf32, #tpu.memory_space<vmem>>[vector<16xi32>, vector<16xi32>], vector<16xf32>,
    %mul3A_559 = arith.mulf %gather3A_555, %select_n3A : vector<16xf32>
    %mul3A_560 = arith.mulf %gather3A_558, %select_n3A_411 : vector<16xf32>
    %add3A_561 = arith.addf %mul3A_559, %mul3A_560 : vector<16xf32>
    %mul3A_562 = vector.broadcast %squeeze3A_552 : f32 to vector<16xf32>
    %mul3A_563 = arith.mulf %mul3A_562, %add3A_561 : vector<16xf32>
    %add3A_564 = arith.addf %add3A_550, %mul3A_563 : vector<16xf32>
    %slice3A_565 = vector.extract_strided_slice %convert_element_type3A {offsets = [11], sizes = [1], strides = [1]} : vector<16xf32> to vector<1xf32>
    %squeeze3A_566 = vector.extract %slice3A_565[0] : f32 from vector<1xf32>
    %broadcast_in_dim3A_567 = arith.constant 11 : i32
    %broadcast_in_dim3A_568 = vector.broadcast %broadcast_in_dim3A_567 : i32 to vector<16xi32>
    %gather3A_569 = tpu.vector_load_idx %arg8[%broadcast_in_dim3A_568, %and3A_392] : memref<13x8xf32, #tpu.memory_space<vmem>>[vector<16xi32>, vector<16xi32>], vector<16xf32>,
    %broadcast_in_dim3A_570 = arith.constant 0 : i32
    %broadcast_in_dim3A_571 = vector.broadcast %broadcast_in_dim3A_570 : i32 to vector<16xi32>
    %gather3A_572 = tpu.vector_load_idx %arg9[%broadcast_in_dim3A_571, %and3A_395] : memref<4x4xf32, #tpu.memory_space<vmem>>[vector<16xi32>, vector<16xi32>], vector<16xf32>,
    %mul3A_573 = arith.mulf %gather3A_569, %select_n3A : vector<16xf32>
    %mul3A_574 = arith.mulf %gather3A_572, %select_n3A_411 : vector<16xf32>
    %add3A_575 = arith.addf %mul3A_573, %mul3A_574 : vector<16xf32>
    %mul3A_576 = vector.broadcast %squeeze3A_566 : f32 to vector<16xf32>
    %mul3A_577 = arith.mulf %mul3A_576, %add3A_575 : vector<16xf32>
    %add3A_578 = arith.addf %add3A_564, %mul3A_577 : vector<16xf32>
    %slice3A_579 = vector.extract_strided_slice %convert_element_type3A {offsets = [12], sizes = [1], strides = [1]} : vector<16xf32> to vector<1xf32>
    %squeeze3A_580 = vector.extract %slice3A_579[0] : f32 from vector<1xf32>
    %broadcast_in_dim3A_581 = arith.constant 12 : i32
    %broadcast_in_dim3A_582 = vector.broadcast %broadcast_in_dim3A_581 : i32 to vector<16xi32>
    %gather3A_583 = tpu.vector_load_idx %arg8[%broadcast_in_dim3A_582, %and3A_392] : memref<13x8xf32, #tpu.memory_space<vmem>>[vector<16xi32>, vector<16xi32>], vector<16xf32>,
    %broadcast_in_dim3A_584 = arith.constant 0 : i32
    %broadcast_in_dim3A_585 = vector.broadcast %broadcast_in_dim3A_584 : i32 to vector<16xi32>
    %gather3A_586 = tpu.vector_load_idx %arg9[%broadcast_in_dim3A_585, %and3A_395] : memref<4x4xf32, #tpu.memory_space<vmem>>[vector<16xi32>, vector<16xi32>], vector<16xf32>,
    %mul3A_587 = arith.mulf %gather3A_583, %select_n3A : vector<16xf32>
    %mul3A_588 = arith.mulf %gather3A_586, %select_n3A_411 : vector<16xf32>
    %add3A_589 = arith.addf %mul3A_587, %mul3A_588 : vector<16xf32>
    %mul3A_590 = vector.broadcast %squeeze3A_580 : f32 to vector<16xf32>
    %mul3A_591 = arith.mulf %mul3A_590, %add3A_589 : vector<16xf32>
    %add3A_592 = arith.addf %add3A_578, %mul3A_591 : vector<16xf32>
    %slice3A_593 = vector.extract_strided_slice %convert_element_type3A {offsets = [13], sizes = [1], strides = [1]} : vector<16xf32> to vector<1xf32>
    %squeeze3A_594 = vector.extract %slice3A_593[0] : f32 from vector<1xf32>
    %broadcast_in_dim3A_595 = arith.constant 0 : i32
    %broadcast_in_dim3A_596 = vector.broadcast %broadcast_in_dim3A_595 : i32 to vector<16xi32>
    %gather3A_597 = tpu.vector_load_idx %arg8[%broadcast_in_dim3A_596, %and3A_392] : memref<13x8xf32, #tpu.memory_space<vmem>>[vector<16xi32>, vector<16xi32>], vector<16xf32>,
    %broadcast_in_dim3A_598 = arith.constant 1 : i32
    %broadcast_in_dim3A_599 = vector.broadcast %broadcast_in_dim3A_598 : i32 to vector<16xi32>
    %gather3A_600 = tpu.vector_load_idx %arg9[%broadcast_in_dim3A_599, %and3A_395] : memref<4x4xf32, #tpu.memory_space<vmem>>[vector<16xi32>, vector<16xi32>], vector<16xf32>,
    %mul3A_601 = arith.mulf %gather3A_597, %select_n3A : vector<16xf32>
    %mul3A_602 = arith.mulf %gather3A_600, %select_n3A_411 : vector<16xf32>
    %add3A_603 = arith.addf %mul3A_601, %mul3A_602 : vector<16xf32>
    %mul3A_604 = vector.broadcast %squeeze3A_594 : f32 to vector<16xf32>
    %mul3A_605 = arith.mulf %mul3A_604, %add3A_603 : vector<16xf32>
    %add3A_606 = arith.addf %add3A_592, %mul3A_605 : vector<16xf32>
    %slice3A_607 = vector.extract_strided_slice %convert_element_type3A {offsets = [14], sizes = [1], strides = [1]} : vector<16xf32> to vector<1xf32>
    %squeeze3A_608 = vector.extract %slice3A_607[0] : f32 from vector<1xf32>
    %broadcast_in_dim3A_609 = arith.constant 1 : i32
    %broadcast_in_dim3A_610 = vector.broadcast %broadcast_in_dim3A_609 : i32 to vector<16xi32>
    %gather3A_611 = tpu.vector_load_idx %arg8[%broadcast_in_dim3A_610, %and3A_392] : memref<13x8xf32, #tpu.memory_space<vmem>>[vector<16xi32>, vector<16xi32>], vector<16xf32>,
    %broadcast_in_dim3A_612 = arith.constant 1 : i32
    %broadcast_in_dim3A_613 = vector.broadcast %broadcast_in_dim3A_612 : i32 to vector<16xi32>
    %gather3A_614 = tpu.vector_load_idx %arg9[%broadcast_in_dim3A_613, %and3A_395] : memref<4x4xf32, #tpu.memory_space<vmem>>[vector<16xi32>, vector<16xi32>], vector<16xf32>,
    %mul3A_615 = arith.mulf %gather3A_611, %select_n3A : vector<16xf32>
    %mul3A_616 = arith.mulf %gather3A_614, %select_n3A_411 : vector<16xf32>
    %add3A_617 = arith.addf %mul3A_615, %mul3A_616 : vector<16xf32>
    %mul3A_618 = vector.broadcast %squeeze3A_608 : f32 to vector<16xf32>
    %mul3A_619 = arith.mulf %mul3A_618, %add3A_617 : vector<16xf32>
    %add3A_620 = arith.addf %add3A_606, %mul3A_619 : vector<16xf32>
    %slice3A_621 = vector.extract_strided_slice %convert_element_type3A {offsets = [15], sizes = [1], strides = [1]} : vector<16xf32> to vector<1xf32>
    %squeeze3A_622 = vector.extract %slice3A_621[0] : f32 from vector<1xf32>
    %broadcast_in_dim3A_623 = arith.constant 2 : i32
    %broadcast_in_dim3A_624 = vector.broadcast %broadcast_in_dim3A_623 : i32 to vector<16xi32>
    %gather3A_625 = tpu.vector_load_idx %arg8[%broadcast_in_dim3A_624, %and3A_392] : memref<13x8xf32, #tpu.memory_space<vmem>>[vector<16xi32>, vector<16xi32>], vector<16xf32>,
    %broadcast_in_dim3A_626 = arith.constant 1 : i32
    %broadcast_in_dim3A_627 = vector.broadcast %broadcast_in_dim3A_626 : i32 to vector<16xi32>
    %gather3A_628 = tpu.vector_load_idx %arg9[%broadcast_in_dim3A_627, %and3A_395] : memref<4x4xf32, #tpu.memory_space<vmem>>[vector<16xi32>, vector<16xi32>], vector<16xf32>,
    %mul3A_629 = arith.mulf %gather3A_625, %select_n3A : vector<16xf32>
    %mul3A_630 = arith.mulf %gather3A_628, %select_n3A_411 : vector<16xf32>
    %add3A_631 = arith.addf %mul3A_629, %mul3A_630 : vector<16xf32>
    %mul3A_632 = vector.broadcast %squeeze3A_622 : f32 to vector<16xf32>
    %mul3A_633 = arith.mulf %mul3A_632, %add3A_631 : vector<16xf32>
    %add3A_634 = arith.addf %add3A_620, %mul3A_633 : vector<16xf32>
    %slice3A_635 = vector.extract_strided_slice %convert_element_type3A_294 {offsets = [0], sizes = [1], strides = [1]} : vector<16xf32> to vector<1xf32>
    %squeeze3A_636 = vector.extract %slice3A_635[0] : f32 from vector<1xf32>
    %broadcast_in_dim3A_637 = arith.constant 3 : i32
    %broadcast_in_dim3A_638 = vector.broadcast %broadcast_in_dim3A_637 : i32 to vector<16xi32>
    %gather3A_639 = tpu.vector_load_idx %arg8[%broadcast_in_dim3A_638, %and3A_392] : memref<13x8xf32, #tpu.memory_space<vmem>>[vector<16xi32>, vector<16xi32>], vector<16xf32>,
    %broadcast_in_dim3A_640 = arith.constant 1 : i32
    %broadcast_in_dim3A_641 = vector.broadcast %broadcast_in_dim3A_640 : i32 to vector<16xi32>
    %gather3A_642 = tpu.vector_load_idx %arg9[%broadcast_in_dim3A_641, %and3A_395] : memref<4x4xf32, #tpu.memory_space<vmem>>[vector<16xi32>, vector<16xi32>], vector<16xf32>,
    %mul3A_643 = arith.mulf %gather3A_639, %select_n3A : vector<16xf32>
    %mul3A_644 = arith.mulf %gather3A_642, %select_n3A_411 : vector<16xf32>
    %add3A_645 = arith.addf %mul3A_643, %mul3A_644 : vector<16xf32>
    %mul3A_646 = vector.broadcast %squeeze3A_636 : f32 to vector<16xf32>
    %mul3A_647 = arith.mulf %mul3A_646, %add3A_645 : vector<16xf32>
    %add3A_648 = arith.addf %add3A_634, %mul3A_647 : vector<16xf32>
    %slice3A_649 = vector.extract_strided_slice %convert_element_type3A_294 {offsets = [1], sizes = [1], strides = [1]} : vector<16xf32> to vector<1xf32>
    %squeeze3A_650 = vector.extract %slice3A_649[0] : f32 from vector<1xf32>
    %broadcast_in_dim3A_651 = arith.constant 4 : i32
    %broadcast_in_dim3A_652 = vector.broadcast %broadcast_in_dim3A_651 : i32 to vector<16xi32>
    %gather3A_653 = tpu.vector_load_idx %arg8[%broadcast_in_dim3A_652, %and3A_392] : memref<13x8xf32, #tpu.memory_space<vmem>>[vector<16xi32>, vector<16xi32>], vector<16xf32>,
    %broadcast_in_dim3A_654 = arith.constant 1 : i32
    %broadcast_in_dim3A_655 = vector.broadcast %broadcast_in_dim3A_654 : i32 to vector<16xi32>
    %gather3A_656 = tpu.vector_load_idx %arg9[%broadcast_in_dim3A_655, %and3A_395] : memref<4x4xf32, #tpu.memory_space<vmem>>[vector<16xi32>, vector<16xi32>], vector<16xf32>,
    %mul3A_657 = arith.mulf %gather3A_653, %select_n3A : vector<16xf32>
    %mul3A_658 = arith.mulf %gather3A_656, %select_n3A_411 : vector<16xf32>
    %add3A_659 = arith.addf %mul3A_657, %mul3A_658 : vector<16xf32>
    %mul3A_660 = vector.broadcast %squeeze3A_650 : f32 to vector<16xf32>
    %mul3A_661 = arith.mulf %mul3A_660, %add3A_659 : vector<16xf32>
    %add3A_662 = arith.addf %add3A_648, %mul3A_661 : vector<16xf32>
    %slice3A_663 = vector.extract_strided_slice %convert_element_type3A_294 {offsets = [2], sizes = [1], strides = [1]} : vector<16xf32> to vector<1xf32>
    %squeeze3A_664 = vector.extract %slice3A_663[0] : f32 from vector<1xf32>
    %broadcast_in_dim3A_665 = arith.constant 5 : i32
    %broadcast_in_dim3A_666 = vector.broadcast %broadcast_in_dim3A_665 : i32 to vector<16xi32>
    %gather3A_667 = tpu.vector_load_idx %arg8[%broadcast_in_dim3A_666, %and3A_392] : memref<13x8xf32, #tpu.memory_space<vmem>>[vector<16xi32>, vector<16xi32>], vector<16xf32>,
    %broadcast_in_dim3A_668 = arith.constant 1 : i32
    %broadcast_in_dim3A_669 = vector.broadcast %broadcast_in_dim3A_668 : i32 to vector<16xi32>
    %gather3A_670 = tpu.vector_load_idx %arg9[%broadcast_in_dim3A_669, %and3A_395] : memref<4x4xf32, #tpu.memory_space<vmem>>[vector<16xi32>, vector<16xi32>], vector<16xf32>,
    %mul3A_671 = arith.mulf %gather3A_667, %select_n3A : vector<16xf32>
    %mul3A_672 = arith.mulf %gather3A_670, %select_n3A_411 : vector<16xf32>
    %add3A_673 = arith.addf %mul3A_671, %mul3A_672 : vector<16xf32>
    %mul3A_674 = vector.broadcast %squeeze3A_664 : f32 to vector<16xf32>
    %mul3A_675 = arith.mulf %mul3A_674, %add3A_673 : vector<16xf32>
    %add3A_676 = arith.addf %add3A_662, %mul3A_675 : vector<16xf32>
    %slice3A_677 = vector.extract_strided_slice %convert_element_type3A_294 {offsets = [3], sizes = [1], strides = [1]} : vector<16xf32> to vector<1xf32>
    %squeeze3A_678 = vector.extract %slice3A_677[0] : f32 from vector<1xf32>
    %broadcast_in_dim3A_679 = arith.constant 6 : i32
    %broadcast_in_dim3A_680 = vector.broadcast %broadcast_in_dim3A_679 : i32 to vector<16xi32>
    %gather3A_681 = tpu.vector_load_idx %arg8[%broadcast_in_dim3A_680, %and3A_392] : memref<13x8xf32, #tpu.memory_space<vmem>>[vector<16xi32>, vector<16xi32>], vector<16xf32>,
    %broadcast_in_dim3A_682 = arith.constant 1 : i32
    %broadcast_in_dim3A_683 = vector.broadcast %broadcast_in_dim3A_682 : i32 to vector<16xi32>
    %gather3A_684 = tpu.vector_load_idx %arg9[%broadcast_in_dim3A_683, %and3A_395] : memref<4x4xf32, #tpu.memory_space<vmem>>[vector<16xi32>, vector<16xi32>], vector<16xf32>,
    %mul3A_685 = arith.mulf %gather3A_681, %select_n3A : vector<16xf32>
    %mul3A_686 = arith.mulf %gather3A_684, %select_n3A_411 : vector<16xf32>
    %add3A_687 = arith.addf %mul3A_685, %mul3A_686 : vector<16xf32>
    %mul3A_688 = vector.broadcast %squeeze3A_678 : f32 to vector<16xf32>
    %mul3A_689 = arith.mulf %mul3A_688, %add3A_687 : vector<16xf32>
    %add3A_690 = arith.addf %add3A_676, %mul3A_689 : vector<16xf32>
    %slice3A_691 = vector.extract_strided_slice %convert_element_type3A_294 {offsets = [4], sizes = [1], strides = [1]} : vector<16xf32> to vector<1xf32>
    %squeeze3A_692 = vector.extract %slice3A_691[0] : f32 from vector<1xf32>
    %broadcast_in_dim3A_693 = arith.constant 7 : i32
    %broadcast_in_dim3A_694 = vector.broadcast %broadcast_in_dim3A_693 : i32 to vector<16xi32>
    %gather3A_695 = tpu.vector_load_idx %arg8[%broadcast_in_dim3A_694, %and3A_392] : memref<13x8xf32, #tpu.memory_space<vmem>>[vector<16xi32>, vector<16xi32>], vector<16xf32>,
    %broadcast_in_dim3A_696 = arith.constant 1 : i32
    %broadcast_in_dim3A_697 = vector.broadcast %broadcast_in_dim3A_696 : i32 to vector<16xi32>
    %gather3A_698 = tpu.vector_load_idx %arg9[%broadcast_in_dim3A_697, %and3A_395] : memref<4x4xf32, #tpu.memory_space<vmem>>[vector<16xi32>, vector<16xi32>], vector<16xf32>,
    %mul3A_699 = arith.mulf %gather3A_695, %select_n3A : vector<16xf32>
    %mul3A_700 = arith.mulf %gather3A_698, %select_n3A_411 : vector<16xf32>
    %add3A_701 = arith.addf %mul3A_699, %mul3A_700 : vector<16xf32>
    %mul3A_702 = vector.broadcast %squeeze3A_692 : f32 to vector<16xf32>
    %mul3A_703 = arith.mulf %mul3A_702, %add3A_701 : vector<16xf32>
    %add3A_704 = arith.addf %add3A_690, %mul3A_703 : vector<16xf32>
    %slice3A_705 = vector.extract_strided_slice %convert_element_type3A_294 {offsets = [5], sizes = [1], strides = [1]} : vector<16xf32> to vector<1xf32>
    %squeeze3A_706 = vector.extract %slice3A_705[0] : f32 from vector<1xf32>
    %broadcast_in_dim3A_707 = arith.constant 8 : i32
    %broadcast_in_dim3A_708 = vector.broadcast %broadcast_in_dim3A_707 : i32 to vector<16xi32>
    %gather3A_709 = tpu.vector_load_idx %arg8[%broadcast_in_dim3A_708, %and3A_392] : memref<13x8xf32, #tpu.memory_space<vmem>>[vector<16xi32>, vector<16xi32>], vector<16xf32>,
    %broadcast_in_dim3A_710 = arith.constant 1 : i32
    %broadcast_in_dim3A_711 = vector.broadcast %broadcast_in_dim3A_710 : i32 to vector<16xi32>
    %gather3A_712 = tpu.vector_load_idx %arg9[%broadcast_in_dim3A_711, %and3A_395] : memref<4x4xf32, #tpu.memory_space<vmem>>[vector<16xi32>, vector<16xi32>], vector<16xf32>,
    %mul3A_713 = arith.mulf %gather3A_709, %select_n3A : vector<16xf32>
    %mul3A_714 = arith.mulf %gather3A_712, %select_n3A_411 : vector<16xf32>
    %add3A_715 = arith.addf %mul3A_713, %mul3A_714 : vector<16xf32>
    %mul3A_716 = vector.broadcast %squeeze3A_706 : f32 to vector<16xf32>
    %mul3A_717 = arith.mulf %mul3A_716, %add3A_715 : vector<16xf32>
    %add3A_718 = arith.addf %add3A_704, %mul3A_717 : vector<16xf32>
    %slice3A_719 = vector.extract_strided_slice %convert_element_type3A_294 {offsets = [6], sizes = [1], strides = [1]} : vector<16xf32> to vector<1xf32>
    %squeeze3A_720 = vector.extract %slice3A_719[0] : f32 from vector<1xf32>
    %broadcast_in_dim3A_721 = arith.constant 9 : i32
    %broadcast_in_dim3A_722 = vector.broadcast %broadcast_in_dim3A_721 : i32 to vector<16xi32>
    %gather3A_723 = tpu.vector_load_idx %arg8[%broadcast_in_dim3A_722, %and3A_392] : memref<13x8xf32, #tpu.memory_space<vmem>>[vector<16xi32>, vector<16xi32>], vector<16xf32>,
    %broadcast_in_dim3A_724 = arith.constant 1 : i32
    %broadcast_in_dim3A_725 = vector.broadcast %broadcast_in_dim3A_724 : i32 to vector<16xi32>
    %gather3A_726 = tpu.vector_load_idx %arg9[%broadcast_in_dim3A_725, %and3A_395] : memref<4x4xf32, #tpu.memory_space<vmem>>[vector<16xi32>, vector<16xi32>], vector<16xf32>,
    %mul3A_727 = arith.mulf %gather3A_723, %select_n3A : vector<16xf32>
    %mul3A_728 = arith.mulf %gather3A_726, %select_n3A_411 : vector<16xf32>
    %add3A_729 = arith.addf %mul3A_727, %mul3A_728 : vector<16xf32>
    %mul3A_730 = vector.broadcast %squeeze3A_720 : f32 to vector<16xf32>
    %mul3A_731 = arith.mulf %mul3A_730, %add3A_729 : vector<16xf32>
    %add3A_732 = arith.addf %add3A_718, %mul3A_731 : vector<16xf32>
    %slice3A_733 = vector.extract_strided_slice %convert_element_type3A_294 {offsets = [7], sizes = [1], strides = [1]} : vector<16xf32> to vector<1xf32>
    %squeeze3A_734 = vector.extract %slice3A_733[0] : f32 from vector<1xf32>
    %broadcast_in_dim3A_735 = arith.constant 10 : i32
    %broadcast_in_dim3A_736 = vector.broadcast %broadcast_in_dim3A_735 : i32 to vector<16xi32>
    %gather3A_737 = tpu.vector_load_idx %arg8[%broadcast_in_dim3A_736, %and3A_392] : memref<13x8xf32, #tpu.memory_space<vmem>>[vector<16xi32>, vector<16xi32>], vector<16xf32>,
    %broadcast_in_dim3A_738 = arith.constant 1 : i32
    %broadcast_in_dim3A_739 = vector.broadcast %broadcast_in_dim3A_738 : i32 to vector<16xi32>
    %gather3A_740 = tpu.vector_load_idx %arg9[%broadcast_in_dim3A_739, %and3A_395] : memref<4x4xf32, #tpu.memory_space<vmem>>[vector<16xi32>, vector<16xi32>], vector<16xf32>,
    %mul3A_741 = arith.mulf %gather3A_737, %select_n3A : vector<16xf32>
    %mul3A_742 = arith.mulf %gather3A_740, %select_n3A_411 : vector<16xf32>
    %add3A_743 = arith.addf %mul3A_741, %mul3A_742 : vector<16xf32>
    %mul3A_744 = vector.broadcast %squeeze3A_734 : f32 to vector<16xf32>
    %mul3A_745 = arith.mulf %mul3A_744, %add3A_743 : vector<16xf32>
    %add3A_746 = arith.addf %add3A_732, %mul3A_745 : vector<16xf32>
    %slice3A_747 = vector.extract_strided_slice %convert_element_type3A_294 {offsets = [8], sizes = [1], strides = [1]} : vector<16xf32> to vector<1xf32>
    %squeeze3A_748 = vector.extract %slice3A_747[0] : f32 from vector<1xf32>
    %broadcast_in_dim3A_749 = arith.constant 11 : i32
    %broadcast_in_dim3A_750 = vector.broadcast %broadcast_in_dim3A_749 : i32 to vector<16xi32>
    %gather3A_751 = tpu.vector_load_idx %arg8[%broadcast_in_dim3A_750, %and3A_392] : memref<13x8xf32, #tpu.memory_space<vmem>>[vector<16xi32>, vector<16xi32>], vector<16xf32>,
    %broadcast_in_dim3A_752 = arith.constant 1 : i32
    %broadcast_in_dim3A_753 = vector.broadcast %broadcast_in_dim3A_752 : i32 to vector<16xi32>
    %gather3A_754 = tpu.vector_load_idx %arg9[%broadcast_in_dim3A_753, %and3A_395] : memref<4x4xf32, #tpu.memory_space<vmem>>[vector<16xi32>, vector<16xi32>], vector<16xf32>,
    %mul3A_755 = arith.mulf %gather3A_751, %select_n3A : vector<16xf32>
    %mul3A_756 = arith.mulf %gather3A_754, %select_n3A_411 : vector<16xf32>
    %add3A_757 = arith.addf %mul3A_755, %mul3A_756 : vector<16xf32>
    %mul3A_758 = vector.broadcast %squeeze3A_748 : f32 to vector<16xf32>
    %mul3A_759 = arith.mulf %mul3A_758, %add3A_757 : vector<16xf32>
    %add3A_760 = arith.addf %add3A_746, %mul3A_759 : vector<16xf32>
    %slice3A_761 = vector.extract_strided_slice %convert_element_type3A_294 {offsets = [9], sizes = [1], strides = [1]} : vector<16xf32> to vector<1xf32>
    %squeeze3A_762 = vector.extract %slice3A_761[0] : f32 from vector<1xf32>
    %broadcast_in_dim3A_763 = arith.constant 12 : i32
    %broadcast_in_dim3A_764 = vector.broadcast %broadcast_in_dim3A_763 : i32 to vector<16xi32>
    %gather3A_765 = tpu.vector_load_idx %arg8[%broadcast_in_dim3A_764, %and3A_392] : memref<13x8xf32, #tpu.memory_space<vmem>>[vector<16xi32>, vector<16xi32>], vector<16xf32>,
    %broadcast_in_dim3A_766 = arith.constant 1 : i32
    %broadcast_in_dim3A_767 = vector.broadcast %broadcast_in_dim3A_766 : i32 to vector<16xi32>
    %gather3A_768 = tpu.vector_load_idx %arg9[%broadcast_in_dim3A_767, %and3A_395] : memref<4x4xf32, #tpu.memory_space<vmem>>[vector<16xi32>, vector<16xi32>], vector<16xf32>,
    %mul3A_769 = arith.mulf %gather3A_765, %select_n3A : vector<16xf32>
    %mul3A_770 = arith.mulf %gather3A_768, %select_n3A_411 : vector<16xf32>
    %add3A_771 = arith.addf %mul3A_769, %mul3A_770 : vector<16xf32>
    %mul3A_772 = vector.broadcast %squeeze3A_762 : f32 to vector<16xf32>
    %mul3A_773 = arith.mulf %mul3A_772, %add3A_771 : vector<16xf32>
    %add3A_774 = arith.addf %add3A_760, %mul3A_773 : vector<16xf32>
    %slice3A_775 = vector.extract_strided_slice %convert_element_type3A_294 {offsets = [10], sizes = [1], strides = [1]} : vector<16xf32> to vector<1xf32>
    %squeeze3A_776 = vector.extract %slice3A_775[0] : f32 from vector<1xf32>
    %broadcast_in_dim3A_777 = arith.constant 0 : i32
    %broadcast_in_dim3A_778 = vector.broadcast %broadcast_in_dim3A_777 : i32 to vector<16xi32>
    %gather3A_779 = tpu.vector_load_idx %arg8[%broadcast_in_dim3A_778, %and3A_392] : memref<13x8xf32, #tpu.memory_space<vmem>>[vector<16xi32>, vector<16xi32>], vector<16xf32>,
    %broadcast_in_dim3A_780 = arith.constant 2 : i32
    %broadcast_in_dim3A_781 = vector.broadcast %broadcast_in_dim3A_780 : i32 to vector<16xi32>
    %gather3A_782 = tpu.vector_load_idx %arg9[%broadcast_in_dim3A_781, %and3A_395] : memref<4x4xf32, #tpu.memory_space<vmem>>[vector<16xi32>, vector<16xi32>], vector<16xf32>,
    %mul3A_783 = arith.mulf %gather3A_779, %select_n3A : vector<16xf32>
    %mul3A_784 = arith.mulf %gather3A_782, %select_n3A_411 : vector<16xf32>
    %add3A_785 = arith.addf %mul3A_783, %mul3A_784 : vector<16xf32>
    %mul3A_786 = vector.broadcast %squeeze3A_776 : f32 to vector<16xf32>
    %mul3A_787 = arith.mulf %mul3A_786, %add3A_785 : vector<16xf32>
    %add3A_788 = arith.addf %add3A_774, %mul3A_787 : vector<16xf32>
    %slice3A_789 = vector.extract_strided_slice %convert_element_type3A_294 {offsets = [11], sizes = [1], strides = [1]} : vector<16xf32> to vector<1xf32>
    %squeeze3A_790 = vector.extract %slice3A_789[0] : f32 from vector<1xf32>
    %broadcast_in_dim3A_791 = arith.constant 1 : i32
    %broadcast_in_dim3A_792 = vector.broadcast %broadcast_in_dim3A_791 : i32 to vector<16xi32>
    %gather3A_793 = tpu.vector_load_idx %arg8[%broadcast_in_dim3A_792, %and3A_392] : memref<13x8xf32, #tpu.memory_space<vmem>>[vector<16xi32>, vector<16xi32>], vector<16xf32>,
    %broadcast_in_dim3A_794 = arith.constant 2 : i32
    %broadcast_in_dim3A_795 = vector.broadcast %broadcast_in_dim3A_794 : i32 to vector<16xi32>
    %gather3A_796 = tpu.vector_load_idx %arg9[%broadcast_in_dim3A_795, %and3A_395] : memref<4x4xf32, #tpu.memory_space<vmem>>[vector<16xi32>, vector<16xi32>], vector<16xf32>,
    %mul3A_797 = arith.mulf %gather3A_793, %select_n3A : vector<16xf32>
    %mul3A_798 = arith.mulf %gather3A_796, %select_n3A_411 : vector<16xf32>
    %add3A_799 = arith.addf %mul3A_797, %mul3A_798 : vector<16xf32>
    %mul3A_800 = vector.broadcast %squeeze3A_790 : f32 to vector<16xf32>
    %mul3A_801 = arith.mulf %mul3A_800, %add3A_799 : vector<16xf32>
    %add3A_802 = arith.addf %add3A_788, %mul3A_801 : vector<16xf32>
    %slice3A_803 = vector.extract_strided_slice %convert_element_type3A_294 {offsets = [12], sizes = [1], strides = [1]} : vector<16xf32> to vector<1xf32>
    %squeeze3A_804 = vector.extract %slice3A_803[0] : f32 from vector<1xf32>
    %broadcast_in_dim3A_805 = arith.constant 2 : i32
    %broadcast_in_dim3A_806 = vector.broadcast %broadcast_in_dim3A_805 : i32 to vector<16xi32>
    %gather3A_807 = tpu.vector_load_idx %arg8[%broadcast_in_dim3A_806, %and3A_392] : memref<13x8xf32, #tpu.memory_space<vmem>>[vector<16xi32>, vector<16xi32>], vector<16xf32>,
    %broadcast_in_dim3A_808 = arith.constant 2 : i32
    %broadcast_in_dim3A_809 = vector.broadcast %broadcast_in_dim3A_808 : i32 to vector<16xi32>
    %gather3A_810 = tpu.vector_load_idx %arg9[%broadcast_in_dim3A_809, %and3A_395] : memref<4x4xf32, #tpu.memory_space<vmem>>[vector<16xi32>, vector<16xi32>], vector<16xf32>,
    %mul3A_811 = arith.mulf %gather3A_807, %select_n3A : vector<16xf32>
    %mul3A_812 = arith.mulf %gather3A_810, %select_n3A_411 : vector<16xf32>
    %add3A_813 = arith.addf %mul3A_811, %mul3A_812 : vector<16xf32>
    %mul3A_814 = vector.broadcast %squeeze3A_804 : f32 to vector<16xf32>
    %mul3A_815 = arith.mulf %mul3A_814, %add3A_813 : vector<16xf32>
    %add3A_816 = arith.addf %add3A_802, %mul3A_815 : vector<16xf32>
    %slice3A_817 = vector.extract_strided_slice %convert_element_type3A_294 {offsets = [13], sizes = [1], strides = [1]} : vector<16xf32> to vector<1xf32>
    %squeeze3A_818 = vector.extract %slice3A_817[0] : f32 from vector<1xf32>
    %broadcast_in_dim3A_819 = arith.constant 3 : i32
    %broadcast_in_dim3A_820 = vector.broadcast %broadcast_in_dim3A_819 : i32 to vector<16xi32>
    %gather3A_821 = tpu.vector_load_idx %arg8[%broadcast_in_dim3A_820, %and3A_392] : memref<13x8xf32, #tpu.memory_space<vmem>>[vector<16xi32>, vector<16xi32>], vector<16xf32>,
    %broadcast_in_dim3A_822 = arith.constant 2 : i32
    %broadcast_in_dim3A_823 = vector.broadcast %broadcast_in_dim3A_822 : i32 to vector<16xi32>
    %gather3A_824 = tpu.vector_load_idx %arg9[%broadcast_in_dim3A_823, %and3A_395] : memref<4x4xf32, #tpu.memory_space<vmem>>[vector<16xi32>, vector<16xi32>], vector<16xf32>,
    %mul3A_825 = arith.mulf %gather3A_821, %select_n3A : vector<16xf32>
    %mul3A_826 = arith.mulf %gather3A_824, %select_n3A_411 : vector<16xf32>
    %add3A_827 = arith.addf %mul3A_825, %mul3A_826 : vector<16xf32>
    %mul3A_828 = vector.broadcast %squeeze3A_818 : f32 to vector<16xf32>
    %mul3A_829 = arith.mulf %mul3A_828, %add3A_827 : vector<16xf32>
    %add3A_830 = arith.addf %add3A_816, %mul3A_829 : vector<16xf32>
    %slice3A_831 = vector.extract_strided_slice %convert_element_type3A_294 {offsets = [14], sizes = [1], strides = [1]} : vector<16xf32> to vector<1xf32>
    %squeeze3A_832 = vector.extract %slice3A_831[0] : f32 from vector<1xf32>
    %broadcast_in_dim3A_833 = arith.constant 4 : i32
    %broadcast_in_dim3A_834 = vector.broadcast %broadcast_in_dim3A_833 : i32 to vector<16xi32>
    %gather3A_835 = tpu.vector_load_idx %arg8[%broadcast_in_dim3A_834, %and3A_392] : memref<13x8xf32, #tpu.memory_space<vmem>>[vector<16xi32>, vector<16xi32>], vector<16xf32>,
    %broadcast_in_dim3A_836 = arith.constant 2 : i32
    %broadcast_in_dim3A_837 = vector.broadcast %broadcast_in_dim3A_836 : i32 to vector<16xi32>
    %gather3A_838 = tpu.vector_load_idx %arg9[%broadcast_in_dim3A_837, %and3A_395] : memref<4x4xf32, #tpu.memory_space<vmem>>[vector<16xi32>, vector<16xi32>], vector<16xf32>,
    %mul3A_839 = arith.mulf %gather3A_835, %select_n3A : vector<16xf32>
    %mul3A_840 = arith.mulf %gather3A_838, %select_n3A_411 : vector<16xf32>
    %add3A_841 = arith.addf %mul3A_839, %mul3A_840 : vector<16xf32>
    %mul3A_842 = vector.broadcast %squeeze3A_832 : f32 to vector<16xf32>
    %mul3A_843 = arith.mulf %mul3A_842, %add3A_841 : vector<16xf32>
    %add3A_844 = arith.addf %add3A_830, %mul3A_843 : vector<16xf32>
    %slice3A_845 = vector.extract_strided_slice %convert_element_type3A_294 {offsets = [15], sizes = [1], strides = [1]} : vector<16xf32> to vector<1xf32>
    %squeeze3A_846 = vector.extract %slice3A_845[0] : f32 from vector<1xf32>
    %broadcast_in_dim3A_847 = arith.constant 5 : i32
    %broadcast_in_dim3A_848 = vector.broadcast %broadcast_in_dim3A_847 : i32 to vector<16xi32>
    %gather3A_849 = tpu.vector_load_idx %arg8[%broadcast_in_dim3A_848, %and3A_392] : memref<13x8xf32, #tpu.memory_space<vmem>>[vector<16xi32>, vector<16xi32>], vector<16xf32>,
    %broadcast_in_dim3A_850 = arith.constant 2 : i32
    %broadcast_in_dim3A_851 = vector.broadcast %broadcast_in_dim3A_850 : i32 to vector<16xi32>
    %gather3A_852 = tpu.vector_load_idx %arg9[%broadcast_in_dim3A_851, %and3A_395] : memref<4x4xf32, #tpu.memory_space<vmem>>[vector<16xi32>, vector<16xi32>], vector<16xf32>,
    %mul3A_853 = arith.mulf %gather3A_849, %select_n3A : vector<16xf32>
    %mul3A_854 = arith.mulf %gather3A_852, %select_n3A_411 : vector<16xf32>
    %add3A_855 = arith.addf %mul3A_853, %mul3A_854 : vector<16xf32>
    %mul3A_856 = vector.broadcast %squeeze3A_846 : f32 to vector<16xf32>
    %mul3A_857 = arith.mulf %mul3A_856, %add3A_855 : vector<16xf32>
    %add3A_858 = arith.addf %add3A_844, %mul3A_857 : vector<16xf32>
    %slice3A_859 = vector.extract_strided_slice %convert_element_type3A_342 {offsets = [0], sizes = [1], strides = [1]} : vector<16xf32> to vector<1xf32>
    %squeeze3A_860 = vector.extract %slice3A_859[0] : f32 from vector<1xf32>
    %broadcast_in_dim3A_861 = arith.constant 6 : i32
    %broadcast_in_dim3A_862 = vector.broadcast %broadcast_in_dim3A_861 : i32 to vector<16xi32>
    %gather3A_863 = tpu.vector_load_idx %arg8[%broadcast_in_dim3A_862, %and3A_392] : memref<13x8xf32, #tpu.memory_space<vmem>>[vector<16xi32>, vector<16xi32>], vector<16xf32>,
    %broadcast_in_dim3A_864 = arith.constant 2 : i32
    %broadcast_in_dim3A_865 = vector.broadcast %broadcast_in_dim3A_864 : i32 to vector<16xi32>
    %gather3A_866 = tpu.vector_load_idx %arg9[%broadcast_in_dim3A_865, %and3A_395] : memref<4x4xf32, #tpu.memory_space<vmem>>[vector<16xi32>, vector<16xi32>], vector<16xf32>,
    %mul3A_867 = arith.mulf %gather3A_863, %select_n3A : vector<16xf32>
    %mul3A_868 = arith.mulf %gather3A_866, %select_n3A_411 : vector<16xf32>
    %add3A_869 = arith.addf %mul3A_867, %mul3A_868 : vector<16xf32>
    %mul3A_870 = vector.broadcast %squeeze3A_860 : f32 to vector<16xf32>
    %mul3A_871 = arith.mulf %mul3A_870, %add3A_869 : vector<16xf32>
    %add3A_872 = arith.addf %add3A_858, %mul3A_871 : vector<16xf32>
    %slice3A_873 = vector.extract_strided_slice %convert_element_type3A_342 {offsets = [1], sizes = [1], strides = [1]} : vector<16xf32> to vector<1xf32>
    %squeeze3A_874 = vector.extract %slice3A_873[0] : f32 from vector<1xf32>
    %broadcast_in_dim3A_875 = arith.constant 7 : i32
    %broadcast_in_dim3A_876 = vector.broadcast %broadcast_in_dim3A_875 : i32 to vector<16xi32>
    %gather3A_877 = tpu.vector_load_idx %arg8[%broadcast_in_dim3A_876, %and3A_392] : memref<13x8xf32, #tpu.memory_space<vmem>>[vector<16xi32>, vector<16xi32>], vector<16xf32>,
    %broadcast_in_dim3A_878 = arith.constant 2 : i32
    %broadcast_in_dim3A_879 = vector.broadcast %broadcast_in_dim3A_878 : i32 to vector<16xi32>
    %gather3A_880 = tpu.vector_load_idx %arg9[%broadcast_in_dim3A_879, %and3A_395] : memref<4x4xf32, #tpu.memory_space<vmem>>[vector<16xi32>, vector<16xi32>], vector<16xf32>,
    %mul3A_881 = arith.mulf %gather3A_877, %select_n3A : vector<16xf32>
    %mul3A_882 = arith.mulf %gather3A_880, %select_n3A_411 : vector<16xf32>
    %add3A_883 = arith.addf %mul3A_881, %mul3A_882 : vector<16xf32>
    %mul3A_884 = vector.broadcast %squeeze3A_874 : f32 to vector<16xf32>
    %mul3A_885 = arith.mulf %mul3A_884, %add3A_883 : vector<16xf32>
    %add3A_886 = arith.addf %add3A_872, %mul3A_885 : vector<16xf32>
    %slice3A_887 = vector.extract_strided_slice %convert_element_type3A_342 {offsets = [2], sizes = [1], strides = [1]} : vector<16xf32> to vector<1xf32>
    %squeeze3A_888 = vector.extract %slice3A_887[0] : f32 from vector<1xf32>
    %broadcast_in_dim3A_889 = arith.constant 8 : i32
    %broadcast_in_dim3A_890 = vector.broadcast %broadcast_in_dim3A_889 : i32 to vector<16xi32>
    %gather3A_891 = tpu.vector_load_idx %arg8[%broadcast_in_dim3A_890, %and3A_392] : memref<13x8xf32, #tpu.memory_space<vmem>>[vector<16xi32>, vector<16xi32>], vector<16xf32>,
    %broadcast_in_dim3A_892 = arith.constant 2 : i32
    %broadcast_in_dim3A_893 = vector.broadcast %broadcast_in_dim3A_892 : i32 to vector<16xi32>
    %gather3A_894 = tpu.vector_load_idx %arg9[%broadcast_in_dim3A_893, %and3A_395] : memref<4x4xf32, #tpu.memory_space<vmem>>[vector<16xi32>, vector<16xi32>], vector<16xf32>,
    %mul3A_895 = arith.mulf %gather3A_891, %select_n3A : vector<16xf32>
    %mul3A_896 = arith.mulf %gather3A_894, %select_n3A_411 : vector<16xf32>
    %add3A_897 = arith.addf %mul3A_895, %mul3A_896 : vector<16xf32>
    %mul3A_898 = vector.broadcast %squeeze3A_888 : f32 to vector<16xf32>
    %mul3A_899 = arith.mulf %mul3A_898, %add3A_897 : vector<16xf32>
    %add3A_900 = arith.addf %add3A_886, %mul3A_899 : vector<16xf32>
    %slice3A_901 = vector.extract_strided_slice %convert_element_type3A_342 {offsets = [3], sizes = [1], strides = [1]} : vector<16xf32> to vector<1xf32>
    %squeeze3A_902 = vector.extract %slice3A_901[0] : f32 from vector<1xf32>
    %broadcast_in_dim3A_903 = arith.constant 9 : i32
    %broadcast_in_dim3A_904 = vector.broadcast %broadcast_in_dim3A_903 : i32 to vector<16xi32>
    %gather3A_905 = tpu.vector_load_idx %arg8[%broadcast_in_dim3A_904, %and3A_392] : memref<13x8xf32, #tpu.memory_space<vmem>>[vector<16xi32>, vector<16xi32>], vector<16xf32>,
    %broadcast_in_dim3A_906 = arith.constant 2 : i32
    %broadcast_in_dim3A_907 = vector.broadcast %broadcast_in_dim3A_906 : i32 to vector<16xi32>
    %gather3A_908 = tpu.vector_load_idx %arg9[%broadcast_in_dim3A_907, %and3A_395] : memref<4x4xf32, #tpu.memory_space<vmem>>[vector<16xi32>, vector<16xi32>], vector<16xf32>,
    %mul3A_909 = arith.mulf %gather3A_905, %select_n3A : vector<16xf32>
    %mul3A_910 = arith.mulf %gather3A_908, %select_n3A_411 : vector<16xf32>
    %add3A_911 = arith.addf %mul3A_909, %mul3A_910 : vector<16xf32>
    %mul3A_912 = vector.broadcast %squeeze3A_902 : f32 to vector<16xf32>
    %mul3A_913 = arith.mulf %mul3A_912, %add3A_911 : vector<16xf32>
    %add3A_914 = arith.addf %add3A_900, %mul3A_913 : vector<16xf32>
    %slice3A_915 = vector.extract_strided_slice %convert_element_type3A_342 {offsets = [4], sizes = [1], strides = [1]} : vector<16xf32> to vector<1xf32>
    %squeeze3A_916 = vector.extract %slice3A_915[0] : f32 from vector<1xf32>
    %broadcast_in_dim3A_917 = arith.constant 10 : i32
    %broadcast_in_dim3A_918 = vector.broadcast %broadcast_in_dim3A_917 : i32 to vector<16xi32>
    %gather3A_919 = tpu.vector_load_idx %arg8[%broadcast_in_dim3A_918, %and3A_392] : memref<13x8xf32, #tpu.memory_space<vmem>>[vector<16xi32>, vector<16xi32>], vector<16xf32>,
    %broadcast_in_dim3A_920 = arith.constant 2 : i32
    %broadcast_in_dim3A_921 = vector.broadcast %broadcast_in_dim3A_920 : i32 to vector<16xi32>
    %gather3A_922 = tpu.vector_load_idx %arg9[%broadcast_in_dim3A_921, %and3A_395] : memref<4x4xf32, #tpu.memory_space<vmem>>[vector<16xi32>, vector<16xi32>], vector<16xf32>,
    %mul3A_923 = arith.mulf %gather3A_919, %select_n3A : vector<16xf32>
    %mul3A_924 = arith.mulf %gather3A_922, %select_n3A_411 : vector<16xf32>
    %add3A_925 = arith.addf %mul3A_923, %mul3A_924 : vector<16xf32>
    %mul3A_926 = vector.broadcast %squeeze3A_916 : f32 to vector<16xf32>
    %mul3A_927 = arith.mulf %mul3A_926, %add3A_925 : vector<16xf32>
    %add3A_928 = arith.addf %add3A_914, %mul3A_927 : vector<16xf32>
    %slice3A_929 = vector.extract_strided_slice %convert_element_type3A_342 {offsets = [5], sizes = [1], strides = [1]} : vector<16xf32> to vector<1xf32>
    %squeeze3A_930 = vector.extract %slice3A_929[0] : f32 from vector<1xf32>
    %broadcast_in_dim3A_931 = arith.constant 11 : i32
    %broadcast_in_dim3A_932 = vector.broadcast %broadcast_in_dim3A_931 : i32 to vector<16xi32>
    %gather3A_933 = tpu.vector_load_idx %arg8[%broadcast_in_dim3A_932, %and3A_392] : memref<13x8xf32, #tpu.memory_space<vmem>>[vector<16xi32>, vector<16xi32>], vector<16xf32>,
    %broadcast_in_dim3A_934 = arith.constant 2 : i32
    %broadcast_in_dim3A_935 = vector.broadcast %broadcast_in_dim3A_934 : i32 to vector<16xi32>
    %gather3A_936 = tpu.vector_load_idx %arg9[%broadcast_in_dim3A_935, %and3A_395] : memref<4x4xf32, #tpu.memory_space<vmem>>[vector<16xi32>, vector<16xi32>], vector<16xf32>,
    %mul3A_937 = arith.mulf %gather3A_933, %select_n3A : vector<16xf32>
    %mul3A_938 = arith.mulf %gather3A_936, %select_n3A_411 : vector<16xf32>
    %add3A_939 = arith.addf %mul3A_937, %mul3A_938 : vector<16xf32>
    %mul3A_940 = vector.broadcast %squeeze3A_930 : f32 to vector<16xf32>
    %mul3A_941 = arith.mulf %mul3A_940, %add3A_939 : vector<16xf32>
    %add3A_942 = arith.addf %add3A_928, %mul3A_941 : vector<16xf32>
    %slice3A_943 = vector.extract_strided_slice %convert_element_type3A_342 {offsets = [6], sizes = [1], strides = [1]} : vector<16xf32> to vector<1xf32>
    %squeeze3A_944 = vector.extract %slice3A_943[0] : f32 from vector<1xf32>
    %broadcast_in_dim3A_945 = arith.constant 12 : i32
    %broadcast_in_dim3A_946 = vector.broadcast %broadcast_in_dim3A_945 : i32 to vector<16xi32>
    %gather3A_947 = tpu.vector_load_idx %arg8[%broadcast_in_dim3A_946, %and3A_392] : memref<13x8xf32, #tpu.memory_space<vmem>>[vector<16xi32>, vector<16xi32>], vector<16xf32>,
    %broadcast_in_dim3A_948 = arith.constant 2 : i32
    %broadcast_in_dim3A_949 = vector.broadcast %broadcast_in_dim3A_948 : i32 to vector<16xi32>
    %gather3A_950 = tpu.vector_load_idx %arg9[%broadcast_in_dim3A_949, %and3A_395] : memref<4x4xf32, #tpu.memory_space<vmem>>[vector<16xi32>, vector<16xi32>], vector<16xf32>,
    %mul3A_951 = arith.mulf %gather3A_947, %select_n3A : vector<16xf32>
    %mul3A_952 = arith.mulf %gather3A_950, %select_n3A_411 : vector<16xf32>
    %add3A_953 = arith.addf %mul3A_951, %mul3A_952 : vector<16xf32>
    %mul3A_954 = vector.broadcast %squeeze3A_944 : f32 to vector<16xf32>
    %mul3A_955 = arith.mulf %mul3A_954, %add3A_953 : vector<16xf32>
    %add3A_956 = arith.addf %add3A_942, %mul3A_955 : vector<16xf32>
    %slice3A_957 = vector.extract_strided_slice %convert_element_type3A_342 {offsets = [7], sizes = [1], strides = [1]} : vector<16xf32> to vector<1xf32>
    %squeeze3A_958 = vector.extract %slice3A_957[0] : f32 from vector<1xf32>
    %broadcast_in_dim3A_959 = arith.constant 0 : i32
    %broadcast_in_dim3A_960 = vector.broadcast %broadcast_in_dim3A_959 : i32 to vector<16xi32>
    %gather3A_961 = tpu.vector_load_idx %arg8[%broadcast_in_dim3A_960, %and3A_392] : memref<13x8xf32, #tpu.memory_space<vmem>>[vector<16xi32>, vector<16xi32>], vector<16xf32>,
    %broadcast_in_dim3A_962 = arith.constant 3 : i32
    %broadcast_in_dim3A_963 = vector.broadcast %broadcast_in_dim3A_962 : i32 to vector<16xi32>
    %gather3A_964 = tpu.vector_load_idx %arg9[%broadcast_in_dim3A_963, %and3A_395] : memref<4x4xf32, #tpu.memory_space<vmem>>[vector<16xi32>, vector<16xi32>], vector<16xf32>,
    %mul3A_965 = arith.mulf %gather3A_961, %select_n3A : vector<16xf32>
    %mul3A_966 = arith.mulf %gather3A_964, %select_n3A_411 : vector<16xf32>
    %add3A_967 = arith.addf %mul3A_965, %mul3A_966 : vector<16xf32>
    %mul3A_968 = vector.broadcast %squeeze3A_958 : f32 to vector<16xf32>
    %mul3A_969 = arith.mulf %mul3A_968, %add3A_967 : vector<16xf32>
    %add3A_970 = arith.addf %add3A_956, %mul3A_969 : vector<16xf32>
    %slice3A_971 = vector.extract_strided_slice %convert_element_type3A_342 {offsets = [8], sizes = [1], strides = [1]} : vector<16xf32> to vector<1xf32>
    %squeeze3A_972 = vector.extract %slice3A_971[0] : f32 from vector<1xf32>
    %broadcast_in_dim3A_973 = arith.constant 1 : i32
    %broadcast_in_dim3A_974 = vector.broadcast %broadcast_in_dim3A_973 : i32 to vector<16xi32>
    %gather3A_975 = tpu.vector_load_idx %arg8[%broadcast_in_dim3A_974, %and3A_392] : memref<13x8xf32, #tpu.memory_space<vmem>>[vector<16xi32>, vector<16xi32>], vector<16xf32>,
    %broadcast_in_dim3A_976 = arith.constant 3 : i32
    %broadcast_in_dim3A_977 = vector.broadcast %broadcast_in_dim3A_976 : i32 to vector<16xi32>
    %gather3A_978 = tpu.vector_load_idx %arg9[%broadcast_in_dim3A_977, %and3A_395] : memref<4x4xf32, #tpu.memory_space<vmem>>[vector<16xi32>, vector<16xi32>], vector<16xf32>,
    %mul3A_979 = arith.mulf %gather3A_975, %select_n3A : vector<16xf32>
    %mul3A_980 = arith.mulf %gather3A_978, %select_n3A_411 : vector<16xf32>
    %add3A_981 = arith.addf %mul3A_979, %mul3A_980 : vector<16xf32>
    %mul3A_982 = vector.broadcast %squeeze3A_972 : f32 to vector<16xf32>
    %mul3A_983 = arith.mulf %mul3A_982, %add3A_981 : vector<16xf32>
    %add3A_984 = arith.addf %add3A_970, %mul3A_983 : vector<16xf32>
    %slice3A_985 = vector.extract_strided_slice %convert_element_type3A_342 {offsets = [9], sizes = [1], strides = [1]} : vector<16xf32> to vector<1xf32>
    %squeeze3A_986 = vector.extract %slice3A_985[0] : f32 from vector<1xf32>
    %broadcast_in_dim3A_987 = arith.constant 2 : i32
    %broadcast_in_dim3A_988 = vector.broadcast %broadcast_in_dim3A_987 : i32 to vector<16xi32>
    %gather3A_989 = tpu.vector_load_idx %arg8[%broadcast_in_dim3A_988, %and3A_392] : memref<13x8xf32, #tpu.memory_space<vmem>>[vector<16xi32>, vector<16xi32>], vector<16xf32>,
    %broadcast_in_dim3A_990 = arith.constant 3 : i32
    %broadcast_in_dim3A_991 = vector.broadcast %broadcast_in_dim3A_990 : i32 to vector<16xi32>
    %gather3A_992 = tpu.vector_load_idx %arg9[%broadcast_in_dim3A_991, %and3A_395] : memref<4x4xf32, #tpu.memory_space<vmem>>[vector<16xi32>, vector<16xi32>], vector<16xf32>,
    %mul3A_993 = arith.mulf %gather3A_989, %select_n3A : vector<16xf32>
    %mul3A_994 = arith.mulf %gather3A_992, %select_n3A_411 : vector<16xf32>
    %add3A_995 = arith.addf %mul3A_993, %mul3A_994 : vector<16xf32>
    %mul3A_996 = vector.broadcast %squeeze3A_986 : f32 to vector<16xf32>
    %mul3A_997 = arith.mulf %mul3A_996, %add3A_995 : vector<16xf32>
    %add3A_998 = arith.addf %add3A_984, %mul3A_997 : vector<16xf32>
    %slice3A_999 = vector.extract_strided_slice %convert_element_type3A_342 {offsets = [10], sizes = [1], strides = [1]} : vector<16xf32> to vector<1xf32>
    %squeeze3A_1000 = vector.extract %slice3A_999[0] : f32 from vector<1xf32>
    %broadcast_in_dim3A_1001 = arith.constant 3 : i32
    %broadcast_in_dim3A_1002 = vector.broadcast %broadcast_in_dim3A_1001 : i32 to vector<16xi32>
    %gather3A_1003 = tpu.vector_load_idx %arg8[%broadcast_in_dim3A_1002, %and3A_392] : memref<13x8xf32, #tpu.memory_space<vmem>>[vector<16xi32>, vector<16xi32>], vector<16xf32>,
    %broadcast_in_dim3A_1004 = arith.constant 3 : i32
    %broadcast_in_dim3A_1005 = vector.broadcast %broadcast_in_dim3A_1004 : i32 to vector<16xi32>
    %gather3A_1006 = tpu.vector_load_idx %arg9[%broadcast_in_dim3A_1005, %and3A_395] : memref<4x4xf32, #tpu.memory_space<vmem>>[vector<16xi32>, vector<16xi32>], vector<16xf32>,
    %mul3A_1007 = arith.mulf %gather3A_1003, %select_n3A : vector<16xf32>
    %mul3A_1008 = arith.mulf %gather3A_1006, %select_n3A_411 : vector<16xf32>
    %add3A_1009 = arith.addf %mul3A_1007, %mul3A_1008 : vector<16xf32>
    %mul3A_1010 = vector.broadcast %squeeze3A_1000 : f32 to vector<16xf32>
    %mul3A_1011 = arith.mulf %mul3A_1010, %add3A_1009 : vector<16xf32>
    %add3A_1012 = arith.addf %add3A_998, %mul3A_1011 : vector<16xf32>
    %slice3A_1013 = vector.extract_strided_slice %convert_element_type3A_342 {offsets = [11], sizes = [1], strides = [1]} : vector<16xf32> to vector<1xf32>
    %squeeze3A_1014 = vector.extract %slice3A_1013[0] : f32 from vector<1xf32>
    %broadcast_in_dim3A_1015 = arith.constant 4 : i32
    %broadcast_in_dim3A_1016 = vector.broadcast %broadcast_in_dim3A_1015 : i32 to vector<16xi32>
    %gather3A_1017 = tpu.vector_load_idx %arg8[%broadcast_in_dim3A_1016, %and3A_392] : memref<13x8xf32, #tpu.memory_space<vmem>>[vector<16xi32>, vector<16xi32>], vector<16xf32>,
    %broadcast_in_dim3A_1018 = arith.constant 3 : i32
    %broadcast_in_dim3A_1019 = vector.broadcast %broadcast_in_dim3A_1018 : i32 to vector<16xi32>
    %gather3A_1020 = tpu.vector_load_idx %arg9[%broadcast_in_dim3A_1019, %and3A_395] : memref<4x4xf32, #tpu.memory_space<vmem>>[vector<16xi32>, vector<16xi32>], vector<16xf32>,
    %mul3A_1021 = arith.mulf %gather3A_1017, %select_n3A : vector<16xf32>
    %mul3A_1022 = arith.mulf %gather3A_1020, %select_n3A_411 : vector<16xf32>
    %add3A_1023 = arith.addf %mul3A_1021, %mul3A_1022 : vector<16xf32>
    %mul3A_1024 = vector.broadcast %squeeze3A_1014 : f32 to vector<16xf32>
    %mul3A_1025 = arith.mulf %mul3A_1024, %add3A_1023 : vector<16xf32>
    %add3A_1026 = arith.addf %add3A_1012, %mul3A_1025 : vector<16xf32>
    %slice3A_1027 = vector.extract_strided_slice %convert_element_type3A_342 {offsets = [12], sizes = [1], strides = [1]} : vector<16xf32> to vector<1xf32>
    %squeeze3A_1028 = vector.extract %slice3A_1027[0] : f32 from vector<1xf32>
    %broadcast_in_dim3A_1029 = arith.constant 5 : i32
    %broadcast_in_dim3A_1030 = vector.broadcast %broadcast_in_dim3A_1029 : i32 to vector<16xi32>
    %gather3A_1031 = tpu.vector_load_idx %arg8[%broadcast_in_dim3A_1030, %and3A_392] : memref<13x8xf32, #tpu.memory_space<vmem>>[vector<16xi32>, vector<16xi32>], vector<16xf32>,
    %broadcast_in_dim3A_1032 = arith.constant 3 : i32
    %broadcast_in_dim3A_1033 = vector.broadcast %broadcast_in_dim3A_1032 : i32 to vector<16xi32>
    %gather3A_1034 = tpu.vector_load_idx %arg9[%broadcast_in_dim3A_1033, %and3A_395] : memref<4x4xf32, #tpu.memory_space<vmem>>[vector<16xi32>, vector<16xi32>], vector<16xf32>,
    %mul3A_1035 = arith.mulf %gather3A_1031, %select_n3A : vector<16xf32>
    %mul3A_1036 = arith.mulf %gather3A_1034, %select_n3A_411 : vector<16xf32>
    %add3A_1037 = arith.addf %mul3A_1035, %mul3A_1036 : vector<16xf32>
    %mul3A_1038 = vector.broadcast %squeeze3A_1028 : f32 to vector<16xf32>
    %mul3A_1039 = arith.mulf %mul3A_1038, %add3A_1037 : vector<16xf32>
    %add3A_1040 = arith.addf %add3A_1026, %mul3A_1039 : vector<16xf32>
    %slice3A_1041 = vector.extract_strided_slice %convert_element_type3A_342 {offsets = [13], sizes = [1], strides = [1]} : vector<16xf32> to vector<1xf32>
    %squeeze3A_1042 = vector.extract %slice3A_1041[0] : f32 from vector<1xf32>
    %broadcast_in_dim3A_1043 = arith.constant 6 : i32
    %broadcast_in_dim3A_1044 = vector.broadcast %broadcast_in_dim3A_1043 : i32 to vector<16xi32>
    %gather3A_1045 = tpu.vector_load_idx %arg8[%broadcast_in_dim3A_1044, %and3A_392] : memref<13x8xf32, #tpu.memory_space<vmem>>[vector<16xi32>, vector<16xi32>], vector<16xf32>,
    %broadcast_in_dim3A_1046 = arith.constant 3 : i32
    %broadcast_in_dim3A_1047 = vector.broadcast %broadcast_in_dim3A_1046 : i32 to vector<16xi32>
    %gather3A_1048 = tpu.vector_load_idx %arg9[%broadcast_in_dim3A_1047, %and3A_395] : memref<4x4xf32, #tpu.memory_space<vmem>>[vector<16xi32>, vector<16xi32>], vector<16xf32>,
    %mul3A_1049 = arith.mulf %gather3A_1045, %select_n3A : vector<16xf32>
    %mul3A_1050 = arith.mulf %gather3A_1048, %select_n3A_411 : vector<16xf32>
    %add3A_1051 = arith.addf %mul3A_1049, %mul3A_1050 : vector<16xf32>
    %mul3A_1052 = vector.broadcast %squeeze3A_1042 : f32 to vector<16xf32>
    %mul3A_1053 = arith.mulf %mul3A_1052, %add3A_1051 : vector<16xf32>
    %add3A_1054 = arith.addf %add3A_1040, %mul3A_1053 : vector<16xf32>
    %slice3A_1055 = vector.extract_strided_slice %convert_element_type3A_342 {offsets = [14], sizes = [1], strides = [1]} : vector<16xf32> to vector<1xf32>
    %squeeze3A_1056 = vector.extract %slice3A_1055[0] : f32 from vector<1xf32>
    %broadcast_in_dim3A_1057 = arith.constant 7 : i32
    %broadcast_in_dim3A_1058 = vector.broadcast %broadcast_in_dim3A_1057 : i32 to vector<16xi32>
    %gather3A_1059 = tpu.vector_load_idx %arg8[%broadcast_in_dim3A_1058, %and3A_392] : memref<13x8xf32, #tpu.memory_space<vmem>>[vector<16xi32>, vector<16xi32>], vector<16xf32>,
    %broadcast_in_dim3A_1060 = arith.constant 3 : i32
    %broadcast_in_dim3A_1061 = vector.broadcast %broadcast_in_dim3A_1060 : i32 to vector<16xi32>
    %gather3A_1062 = tpu.vector_load_idx %arg9[%broadcast_in_dim3A_1061, %and3A_395] : memref<4x4xf32, #tpu.memory_space<vmem>>[vector<16xi32>, vector<16xi32>], vector<16xf32>,
    %mul3A_1063 = arith.mulf %gather3A_1059, %select_n3A : vector<16xf32>
    %mul3A_1064 = arith.mulf %gather3A_1062, %select_n3A_411 : vector<16xf32>
    %add3A_1065 = arith.addf %mul3A_1063, %mul3A_1064 : vector<16xf32>
    %mul3A_1066 = vector.broadcast %squeeze3A_1056 : f32 to vector<16xf32>
    %mul3A_1067 = arith.mulf %mul3A_1066, %add3A_1065 : vector<16xf32>
    %add3A_1068 = arith.addf %add3A_1054, %mul3A_1067 : vector<16xf32>
    %slice3A_1069 = vector.extract_strided_slice %convert_element_type3A_342 {offsets = [15], sizes = [1], strides = [1]} : vector<16xf32> to vector<1xf32>
    %squeeze3A_1070 = vector.extract %slice3A_1069[0] : f32 from vector<1xf32>
    %broadcast_in_dim3A_1071 = arith.constant 8 : i32
    %broadcast_in_dim3A_1072 = vector.broadcast %broadcast_in_dim3A_1071 : i32 to vector<16xi32>
    %gather3A_1073 = tpu.vector_load_idx %arg8[%broadcast_in_dim3A_1072, %and3A_392] : memref<13x8xf32, #tpu.memory_space<vmem>>[vector<16xi32>, vector<16xi32>], vector<16xf32>,
    %broadcast_in_dim3A_1074 = arith.constant 3 : i32
    %broadcast_in_dim3A_1075 = vector.broadcast %broadcast_in_dim3A_1074 : i32 to vector<16xi32>
    %gather3A_1076 = tpu.vector_load_idx %arg9[%broadcast_in_dim3A_1075, %and3A_395] : memref<4x4xf32, #tpu.memory_space<vmem>>[vector<16xi32>, vector<16xi32>], vector<16xf32>,
    %mul3A_1077 = arith.mulf %gather3A_1073, %select_n3A : vector<16xf32>
    %mul3A_1078 = arith.mulf %gather3A_1076, %select_n3A_411 : vector<16xf32>
    %add3A_1079 = arith.addf %mul3A_1077, %mul3A_1078 : vector<16xf32>
    %mul3A_1080 = vector.broadcast %squeeze3A_1070 : f32 to vector<16xf32>
    %mul3A_1081 = arith.mulf %mul3A_1080, %add3A_1079 : vector<16xf32>
    %add3A_1082 = arith.addf %add3A_1068, %mul3A_1081 : vector<16xf32>
    %slice3A_1083 = vector.extract_strided_slice %convert_element_type3A_390 {offsets = [0], sizes = [1], strides = [1]} : vector<16xf32> to vector<1xf32>
    %squeeze3A_1084 = vector.extract %slice3A_1083[0] : f32 from vector<1xf32>
    %broadcast_in_dim3A_1085 = arith.constant 9 : i32
    %broadcast_in_dim3A_1086 = vector.broadcast %broadcast_in_dim3A_1085 : i32 to vector<16xi32>
    %gather3A_1087 = tpu.vector_load_idx %arg8[%broadcast_in_dim3A_1086, %and3A_392] : memref<13x8xf32, #tpu.memory_space<vmem>>[vector<16xi32>, vector<16xi32>], vector<16xf32>,
    %broadcast_in_dim3A_1088 = arith.constant 3 : i32
    %broadcast_in_dim3A_1089 = vector.broadcast %broadcast_in_dim3A_1088 : i32 to vector<16xi32>
    %gather3A_1090 = tpu.vector_load_idx %arg9[%broadcast_in_dim3A_1089, %and3A_395] : memref<4x4xf32, #tpu.memory_space<vmem>>[vector<16xi32>, vector<16xi32>], vector<16xf32>,
    %mul3A_1091 = arith.mulf %gather3A_1087, %select_n3A : vector<16xf32>
    %mul3A_1092 = arith.mulf %gather3A_1090, %select_n3A_411 : vector<16xf32>
    %add3A_1093 = arith.addf %mul3A_1091, %mul3A_1092 : vector<16xf32>
    %mul3A_1094 = vector.broadcast %squeeze3A_1084 : f32 to vector<16xf32>
    %mul3A_1095 = arith.mulf %mul3A_1094, %add3A_1093 : vector<16xf32>
    %add3A_1096 = arith.addf %add3A_1082, %mul3A_1095 : vector<16xf32>
    %slice3A_1097 = vector.extract_strided_slice %convert_element_type3A_390 {offsets = [1], sizes = [1], strides = [1]} : vector<16xf32> to vector<1xf32>
    %squeeze3A_1098 = vector.extract %slice3A_1097[0] : f32 from vector<1xf32>
    %broadcast_in_dim3A_1099 = arith.constant 10 : i32
    %broadcast_in_dim3A_1100 = vector.broadcast %broadcast_in_dim3A_1099 : i32 to vector<16xi32>
    %gather3A_1101 = tpu.vector_load_idx %arg8[%broadcast_in_dim3A_1100, %and3A_392] : memref<13x8xf32, #tpu.memory_space<vmem>>[vector<16xi32>, vector<16xi32>], vector<16xf32>,
    %broadcast_in_dim3A_1102 = arith.constant 3 : i32
    %broadcast_in_dim3A_1103 = vector.broadcast %broadcast_in_dim3A_1102 : i32 to vector<16xi32>
    %gather3A_1104 = tpu.vector_load_idx %arg9[%broadcast_in_dim3A_1103, %and3A_395] : memref<4x4xf32, #tpu.memory_space<vmem>>[vector<16xi32>, vector<16xi32>], vector<16xf32>,
    %mul3A_1105 = arith.mulf %gather3A_1101, %select_n3A : vector<16xf32>
    %mul3A_1106 = arith.mulf %gather3A_1104, %select_n3A_411 : vector<16xf32>
    %add3A_1107 = arith.addf %mul3A_1105, %mul3A_1106 : vector<16xf32>
    %mul3A_1108 = vector.broadcast %squeeze3A_1098 : f32 to vector<16xf32>
    %mul3A_1109 = arith.mulf %mul3A_1108, %add3A_1107 : vector<16xf32>
    %add3A_1110 = arith.addf %add3A_1096, %mul3A_1109 : vector<16xf32>
    %slice3A_1111 = vector.extract_strided_slice %convert_element_type3A_390 {offsets = [2], sizes = [1], strides = [1]} : vector<16xf32> to vector<1xf32>
    %squeeze3A_1112 = vector.extract %slice3A_1111[0] : f32 from vector<1xf32>
    %broadcast_in_dim3A_1113 = arith.constant 11 : i32
    %broadcast_in_dim3A_1114 = vector.broadcast %broadcast_in_dim3A_1113 : i32 to vector<16xi32>
    %gather3A_1115 = tpu.vector_load_idx %arg8[%broadcast_in_dim3A_1114, %and3A_392] : memref<13x8xf32, #tpu.memory_space<vmem>>[vector<16xi32>, vector<16xi32>], vector<16xf32>,
    %broadcast_in_dim3A_1116 = arith.constant 3 : i32
    %broadcast_in_dim3A_1117 = vector.broadcast %broadcast_in_dim3A_1116 : i32 to vector<16xi32>
    %gather3A_1118 = tpu.vector_load_idx %arg9[%broadcast_in_dim3A_1117, %and3A_395] : memref<4x4xf32, #tpu.memory_space<vmem>>[vector<16xi32>, vector<16xi32>], vector<16xf32>,
    %mul3A_1119 = arith.mulf %gather3A_1115, %select_n3A : vector<16xf32>
    %mul3A_1120 = arith.mulf %gather3A_1118, %select_n3A_411 : vector<16xf32>
    %add3A_1121 = arith.addf %mul3A_1119, %mul3A_1120 : vector<16xf32>
    %mul3A_1122 = vector.broadcast %squeeze3A_1112 : f32 to vector<16xf32>
    %mul3A_1123 = arith.mulf %mul3A_1122, %add3A_1121 : vector<16xf32>
    %add3A_1124 = arith.addf %add3A_1110, %mul3A_1123 : vector<16xf32>
    %slice3A_1125 = vector.extract_strided_slice %convert_element_type3A_390 {offsets = [3], sizes = [1], strides = [1]} : vector<16xf32> to vector<1xf32>
    %squeeze3A_1126 = vector.extract %slice3A_1125[0] : f32 from vector<1xf32>
    %broadcast_in_dim3A_1127 = arith.constant 12 : i32
    %broadcast_in_dim3A_1128 = vector.broadcast %broadcast_in_dim3A_1127 : i32 to vector<16xi32>
    %gather3A_1129 = tpu.vector_load_idx %arg8[%broadcast_in_dim3A_1128, %and3A_392] : memref<13x8xf32, #tpu.memory_space<vmem>>[vector<16xi32>, vector<16xi32>], vector<16xf32>,
    %broadcast_in_dim3A_1130 = arith.constant 3 : i32
    %broadcast_in_dim3A_1131 = vector.broadcast %broadcast_in_dim3A_1130 : i32 to vector<16xi32>
    %gather3A_1132 = tpu.vector_load_idx %arg9[%broadcast_in_dim3A_1131, %and3A_395] : memref<4x4xf32, #tpu.memory_space<vmem>>[vector<16xi32>, vector<16xi32>], vector<16xf32>,
    %mul3A_1133 = arith.mulf %gather3A_1129, %select_n3A : vector<16xf32>
    %mul3A_1134 = arith.mulf %gather3A_1132, %select_n3A_411 : vector<16xf32>
    %add3A_1135 = arith.addf %mul3A_1133, %mul3A_1134 : vector<16xf32>
    %mul3A_1136 = vector.broadcast %squeeze3A_1126 : f32 to vector<16xf32>
    %mul3A_1137 = arith.mulf %mul3A_1136, %add3A_1135 : vector<16xf32>
    %add3A_1138 = arith.addf %add3A_1124, %mul3A_1137 : vector<16xf32>
    %mul3A_1139 = arith.constant 1.2207031E-6 : f32
    %mul3A_1140 = vector.broadcast %mul3A_1139 : f32 to vector<16xf32>
    %mul3A_1141 = arith.mulf %add3A_1138, %mul3A_1140 : vector<16xf32>
    %swap3A_1142 = arith.constant 0 : index
    %swap3A_1143 = tpu.vector_load %arg10[%swap3A_1142] {strides = array<i32>} : memref<16xf32, #tpu.memory_space<vmem>>, vector<16xf32>,
    tpu.vector_store %arg10[%swap3A_1142], %mul3A_1141 {strides = array<i32>} : memref<16xf32, #tpu.memory_space<vmem>>, vector<16xf32>,
    "tpu.region"() ({
      %run_scoped3A = tpu.sem_alloc : memref<!tpu.dma_semaphore, #tpu.memory_space<semaphore_mem>>
      %dma_start3A_1144 = arith.constant 0 : i32
      %dma_start3A_1145 = tpu.memref_slice %arg5[%add3A, %dma_start3A_1144] : memref<32x16xf32, #tpu.memory_space<hbm>> -> memref<1x16xf32, #tpu.memory_space<hbm>>
      %dma_start3A_1146 = tpu.memref_squeeze %dma_start3A_1145 : memref<1x16xf32, #tpu.memory_space<hbm>> -> memref<16xf32, #tpu.memory_space<hbm>>
      %dma_start3A_1147 = arith.constant 0 : i32
      %dma_start3A_1148 = tpu.memref_slice %arg5[%add3A, %dma_start3A_1147] : memref<32x16xf32, #tpu.memory_space<hbm>> -> memref<1x16xf32, #tpu.memory_space<hbm>>
      %dma_start3A_1149 = tpu.memref_squeeze %dma_start3A_1148 : memref<1x16xf32, #tpu.memory_space<hbm>> -> memref<16xf32, #tpu.memory_space<hbm>>
      tpu.enqueue_dma source(%arg10 : memref<16xf32, #tpu.memory_space<vmem>>) target(%dma_start3A_1149 : memref<16xf32, #tpu.memory_space<hbm>>) target_semaphore(%run_scoped3A : memref<!tpu.dma_semaphore, #tpu.memory_space<semaphore_mem>>)
      %dma_wait3A_1150 = arith.constant 0 : i32
      %dma_wait3A_1151 = tpu.memref_slice %arg5[%add3A, %dma_wait3A_1150] : memref<32x16xf32, #tpu.memory_space<hbm>> -> memref<1x16xf32, #tpu.memory_space<hbm>>
      %dma_wait3A_1152 = tpu.memref_squeeze %dma_wait3A_1151 : memref<1x16xf32, #tpu.memory_space<hbm>> -> memref<16xf32, #tpu.memory_space<hbm>>
      %dma_wait3A_1153 = arith.constant 0 : i32
      %dma_wait3A_1154 = tpu.memref_slice %arg5[%add3A, %dma_wait3A_1153] : memref<32x16xf32, #tpu.memory_space<hbm>> -> memref<1x16xf32, #tpu.memory_space<hbm>>
      %dma_wait3A_1155 = tpu.memref_squeeze %dma_wait3A_1154 : memref<1x16xf32, #tpu.memory_space<hbm>> -> memref<16xf32, #tpu.memory_space<hbm>>
      tpu.wait_dma2 semaphore(%run_scoped3A : memref<!tpu.dma_semaphore, #tpu.memory_space<semaphore_mem>>) src(%arg10 : memref<16xf32, #tpu.memory_space<vmem>>) dst(%dma_wait3A_1155 : memref<16xf32, #tpu.memory_space<hbm>>)
      tpu.yield
    }) : () -> ()
    return
  }
}

</mosaic_0001>

<sc_bundles>
// kernel: kernel.3.cloned.1.call-start
scs
__scs_entry_jumppad:
0x0: {  	(pc) =	sbr.rel $0x88, $3  }
0x1: {  	(tag) =	ssettag $0x0;
	lr =	simm.s32 $0x1  }
0x2: {  	[smem:$0x3F9E] =	sst lr;
	_ =	strace $0xD0000000  }
0x3: {  	_ = 	snop  }
0x4: {  	_ = 	snop  }
0x5: {  	_ = 	snop  }
0x6: {  	_ = 	snop  }
0x7: {  	_ = 	snop  }
__scs_overlays_trampoline_lowered:
0x8: {  	[smem:$0x3FAD] =	sst s0  }
0x9: {  	[smem:$0x3FAE] =	sst s1  }
0xa: {  	[smem:$0x3FAF] =	sst s2  }
0xb: {  	[smem:$0x3FB0] =	sst s3  }
0xc: {  	[smem:$0x3FB1] =	sst s4  }
0xd: {  	[smem:$0x3FB2] =	sst s5  }
0xe: {  	[smem:$0x3FB3] =	sst s6  }
0xf: {  	[smem:$0x3FB4] =	sst s7  }
0x10: {  	[smem:$0x3FB5] =	sst s8  }
0x11: {  	[smem:$0x3FB6] =	sst s9;
	s0 =	simm.s32 @!p0 $0x0  }
0x12: {  	s1 =	sld [smem:$0x3F9C];
	s0 =	simm.s32 @p0 $0x1  }
0x13: {  	[smem:$0x3FB7] =	sst s0;
	s0 =	simm.s32 @!p1 $0x0  }
0x14: {  	s2 =	sld [smem:$0x3F9B];
	s0 =	simm.s32 @p1 $0x1  }
0x15: {  	[smem:$0x3FB8] =	sst s0;
	s0 =	simm.s32 @!p2 $0x0  }
0x16: {  	s3 =	sld [smem:$0x3FDB];
	s0 =	simm.s32 @p2 $0x1  }
0x17: {  	s4 =	simm.s32 $0x1BF5;
	[smem:$0x3FBA] =	sst s0  }
0x18: {  	s0 =	sld [smem:$0x3F9D];
	_ =	swait.ge [sflag:s4], $0x0  }
0x19: {  	s7 =	sld [smem:$0x3F9E]  }
0x1a: {  	s8 =	sadd.s32 $0xFFFFE003, lr  }
0x1b: {  	s9 =	sadd.s32 $0xFFFFFEF7, lr;
	s5 =	simm.s32 $0xFFFFFFFF;
	p2 =	slt.u32 s8, $0xFFFFF086  }
0x1c: {  	p1 =	slt.u32 s9, $0xF7A;
	s5 =	simm.s32 @!p2 $0x0  }
0x1d: {  	s5 =	simm.s32 @p1 $0x1;
	p0 =	seq.s32 s7, s2  }
0x1e: {  	s7 =	smul.u32 @!p0 $0xF7A, s2;
	p2 =	seq.s32 @!p0 s5, $0x0  }
0x1f: {  	s9 =	smul.u32 $0xF7A, s1;
	s8 =	simm.s32 @!p0 $0x1BF5;
	p2 =	por !p2, p0  }
0x20: {  	[sflag:s8] =	ssyncset.s32 @!p0 $0xFFFFF086;
	s6 =	sadd.s32 @!p0 s3, s7;
	s7 =	simm.s32 @!p0 $0x108  }
0x21: {  	s3 =	sadd.s32 s3, s9;
	s6 =	sadd.s32 @!p0 $0x88, s6;
	s7 =	simm.s32 @p2 $0x1082  }
0x22: {  	[simem:s7], [sflag:s8] =	dma.local @!p0 [hbm:s6], $0xF7A  }
0x23: {  	s9 =	sor.u32 $0xD0000000, s2;
	s6 =	simm.s32 $0x108;
	_ =	swait.ge @!p0 [sflag:s8], $0x0  }
0x24: {  	s3 =	sadd.s32 $0x88, s3;
	s6 =	simm.s32 @!p1 $0x1082;
	[sflag:s4] =	ssyncset.s32 $0xFFFFF086  }
0x25: {  	[simem:s6], [sflag:s4] =	dma.local [hbm:s3], $0xF7A  }
0x26: {  	[smem:$0x3F9E] =	sst s1;
	(tag) =	ssettag s2;
	_ =	strace s9  }
0x27: {  	s1 =	sld [smem:$0x3FAE]  }
0x28: {  	s2 =	sld [smem:$0x3FAF]  }
0x29: {  	s4 =	sld [smem:$0x3FB1]  }
0x2a: {  	p0 =	seq.s32 s5, $0x0;
	s5 =	sld [smem:$0x3FB2]  }
0x2b: {  	s6 =	sld [smem:$0x3FB3]  }
0x2c: {  	s7 =	sld [smem:$0x3FB4]  }
0x2d: {  	s3 =	simm.s32 $0x108;
	s8 =	sld [smem:$0x3FB5]  }
0x2e: {  	s3 =	simm.s32 @!p0 $0x1082;
	s9 =	sld [smem:$0x3FB6]  }
0x2f: {  	lr =	sadd.s32 s0, s3;
	s0 =	sld [smem:$0x3FAD]  }
0x30: {  	s3 =	sld [smem:$0x3FB0]  }
0x31: {  	[smem:$0x3FB9] =	sst s10  }
0x32: {  	s10 =	sld [smem:$0x3FB7];
	_ =	sdelay $0x3  }
0x33: {  	p0 =	seq.s32 s10, $0x1;
	s10 =	sld [smem:$0x3FB9];
	_ =	sdelay $0x3  }
0x34: {  	[smem:$0x3FB9] =	sst s10  }
0x35: {  	s10 =	sld [smem:$0x3FB8];
	_ =	sdelay $0x3  }
0x36: {  	p1 =	seq.s32 s10, $0x1;
	s10 =	sld [smem:$0x3FB9];
	_ =	sdelay $0x3  }
0x37: {  	[smem:$0x3FB9] =	sst s10  }
0x38: {  	s10 =	sld [smem:$0x3FBA]  }
0x39: {  	_ = 	snop;
	(pc) =	sbr.ind lr, $3  }
0x3a: {  	_ = 	snop  }
0x3b: {  	_ = 	snop  }
0x3c: {  	p2 =	seq.s32 s10, $0x1;
	s10 =	sld [smem:$0x3FB9]  }
0x3d: {  	_ =	shalt  }
0x3e: {  	_ =	shalt  }
0x3f: {  	_ =	shalt  }
0x40: {  	_ =	shalt  }
0x41: {  	_ =	shalt  }
0x42: {  	_ =	shalt  }
0x43: {  	_ =	shalt  }
0x44: {  	_ =	shalt  }
0x45: {  	_ =	shalt  }
0x46: {  	_ =	shalt  }
0x47: {  	_ =	shalt  }
0x48: {  	_ =	shalt  }
0x49: {  	_ =	shalt  }
0x4a: {  	_ =	shalt  }
0x4b: {  	_ =	shalt  }
0x4c: {  	_ =	shalt  }
0x4d: {  	_ =	shalt  }
0x4e: {  	_ =	shalt  }
0x4f: {  	_ =	shalt  }
0x50: {  	_ =	shalt  }
0x51: {  	_ =	shalt  }
0x52: {  	_ =	shalt  }
0x53: {  	_ =	shalt  }
0x54: {  	_ =	shalt  }
0x55: {  	_ =	shalt  }
0x56: {  	_ =	shalt  }
0x57: {  	_ =	shalt  }
0x58: {  	_ =	shalt  }
0x59: {  	_ =	shalt  }
0x5a: {  	_ =	shalt  }
0x5b: {  	_ =	shalt  }
0x5c: {  	_ =	shalt  }
0x5d: {  	_ =	shalt  }
0x5e: {  	_ =	shalt  }
0x5f: {  	_ =	shalt  }
0x60: {  	_ =	shalt  }
0x61: {  	_ =	shalt  }
0x62: {  	_ =	shalt  }
0x63: {  	_ =	shalt  }
0x64: {  	_ =	shalt  }
0x65: {  	_ =	shalt  }
0x66: {  	_ =	shalt  }
0x67: {  	_ =	shalt  }
0x68: {  	_ =	shalt  }
0x69: {  	_ =	shalt  }
0x6a: {  	_ =	shalt  }
0x6b: {  	_ =	shalt  }
0x6c: {  	_ =	shalt  }
0x6d: {  	_ =	shalt  }
0x6e: {  	_ =	shalt  }
0x6f: {  	_ =	shalt  }
0x70: {  	_ =	shalt  }
0x71: {  	_ =	shalt  }
0x72: {  	_ =	shalt  }
0x73: {  	_ =	shalt  }
0x74: {  	_ =	shalt  }
0x75: {  	_ =	shalt  }
0x76: {  	_ =	shalt  }
0x77: {  	_ =	shalt  }
0x78: {  	_ =	shalt  }
0x79: {  	_ =	shalt  }
0x7a: {  	_ =	shalt  }
0x7b: {  	_ =	shalt  }
0x7c: {  	_ =	shalt  }
0x7d: {  	_ =	shalt  }
0x7e: {  	_ =	shalt  }
0x7f: {  	_ =	shalt  }
0x80: {  	_ =	shalt  }
0x81: {  	_ =	shalt  }
0x82: {  	_ =	shalt  }
0x83: {  	_ =	shalt  }
0x84: {  	_ =	shalt  }
0x85: {  	_ =	shalt  }
0x86: {  	_ =	shalt  }
0x87: {  	_ =	shalt  }
.Lfunc_end0:
.L_simem_size_0:
called_computation_lowered:
.L_overlay_start_0:
0x88: {  	s2 =	sld [smem:$0x3FD9]  }
0x89: {  	s3 =	sld [smem:$0x3FFE];
	_ =	sdelay $0x1  }
0x8a: {  	s1 =	srdreg.scid  }
0x8b: {  	s0 =	sand.u32 $0x1, s1  }
0x8c: {  	s17 =	sshll.u32 s0, $0xA;
	s2 =	sadd.s32 s3, s2  }
0x8d: {  	s2 =	sadd.s32 s2, s17  }
0x8e: {  	[smem:$0x3FC5] =	sst s2  }
0x8f: {  	_ = 	snop  }
0x90: {  	s2 =	sld [smem:$0x3FC9]  }
0x91: {  	s18 =	sld [smem:$0x3FC7];
	(tm) =	ssettm $0x1  }
0x92: {  	s4 =	sld [smem:$0x3FFB];
	_ =	sdelay $0x3  }
0x93: {  	_ =	strace s4  }
0x94: {  	s4 =	sld [smem:$0x3FFC];
	_ =	sdelay $0x3  }
0x95: {  	_ =	strace s4  }
0x96: {  	s4 =	sld [smem:$0x3FFD];
	_ =	sdelay $0x3  }
0x97: {  	_ =	strace s4  }
0x98: {  	_ =	strace $0x8FFFFFFF  }
0x99: {  	s19 =	sld [smem:$0x3FDB];
	_ =	sdelay $0x1  }
0x9a: {  	s5 =	simm.s32 $_scs_section_size  }
0x9b: {  	s6 =	simm.s32 $_size__tile_overlayer_lowered;
	s7 =	simm.s32 $_tile_overlayer_lowered  }
0x9c: {  	s22 =	simm.s32 $0x1BFF;
	s21 =	sshll.u32 s7, $0x1;
	s4 =	sadd.s32 s5, s19  }
0x9d: {  	s8 =	simm.s32 $0x0;
	s20 =	sshll.u32 s6, $0x1;
	s6 =	sadd.s32 s21, s4  }
0x9e: {  	[timem:s8], [sflag:s22] =	dma.local [hbm:s6], s20  }
0x9f: {  	_ =	swait.ge [sflag:s22], s20  }
0xa0: {  	s5 =	ssub.s32 $0x0, s20;
	[sflag:s22] =	ssyncset.done $0x0  }
0xa1: {  	[sflag:s22] =	ssyncadd.s32 s5;
	_ =	sdelay $0x1  }
0xa2: {  	s23 =	simm.s32 $0x1B8B  }
0xa3: {  	_ =	swait.ge [sflag:s23], $0x1  }
0xa4: {  	[sflag:s23] =	ssyncset.done $0x0  }
0xa5: {  	s25 =	simm.s32 $0x1B8E;
	s24 =	sld [smem:$0x3FFE];
	[sflag:s23] =	ssyncadd.s32 $0xFFFFFFFF  }
0xa6: {  	s26 =	simm.s32 $execute0_lowered;
	[smem:$0x3FD2] =	sst s25  }
0xa7: {  	s6 =	sshll.u32 s26, $0x1;
	_ =	strace $0x80000046;
	[dreg:$0x1] =	wrdreg $0xFFFFFFFF  }
0xa8: {  	s28 =	simm.s32 $_size_execute0_lowered;
	s4 =	sadd.s32 s4, s6;
	[dreg:$0x0] =	wrdreg $0x0  }
0xa9: {  	s6 =	sshll.u32 s28, $0x1;
	[dreg:$0x2] =	wrdreg s4  }
0xaa: {  	[dreg:$0x3] =	wrdreg s6  }
0xab: {  	[dreg:$0x4] =	wrdreg $0xC0  }
0xac: {  	_ =	task [dreg:s8], $0x5FFFF  }
0xad: {  	[dreg:$0x1] =	wrdreg $0xFFFFFFFF  }
0xae: {  	[dreg:$0x0] =	wrdreg $0x60  }
0xaf: {  	[dreg:$0x2] =	wrdreg s2  }
0xb0: {  	[dreg:$0x3] =	wrdreg s24  }
0xb1: {  	[dreg:$0x4] =	wrdreg s18  }
0xb2: {  	[dreg:$0x5] =	wrdreg $0x9  }
0xb3: {  	_ =	task.clear_ibuf [dreg:s8], $0x6FFFF;
	_ =	strace $0x90000046  }
0xb4: {  	s29 =	simm.s32 $0x9;
	_ =	strace $0x80000048  }
0xb5: {  	_ =	swait.ge [sflag:s29], $0x1  }
0xb6: {  	[sflag:s29] =	ssyncadd.s32 $0xFFFFFFFF  }
0xb7: {  	_ =	strace $0x90000048  }
0xb8: {  	_ =	sfence  }
0xb9: {  	s30 =	sld [smem:$0x0];
	_ =	sdelay $0x2  }
0xba: {  	s31 =	sshll.u32 s1, $0xD;
	s1 =	sshrl.u32 s1, $0x2  }
0xbb: {  	s3 =	sand.u32 $0x4000, s31;
	s1 =	sadd.s32 s1, s30  }
0xbc: {  	s0 =	sor.u32 s3, s0;
	s1 =	sshll.u32 s1, $0x11  }
0xbd: {  	s0 =	sor.u32 s1, s0  }
0xbe: {  	s0 =	sadd.s32 $0x8F2B, s0  }
0xbf: {  	[sflag:s0] =	ssyncadd.remote.s32 $0x1  }
0xc0: {  	_ =	sfence.sel $0xFFFF  }
0xc1: {  	[dreg:$0x0] =	wrdreg $0xFFFFFFFF;
	(pc) =	sbr.abs _section_cstart, $3  }
0xc2: {  	[dreg:$0x1] =	wrdreg $0xFFFFFFFF  }
0xc3: {  	_ =	task.clear_ibuf [dreg:s8], $0x2FFFF;
	_ =	strace $0x9FFFFFFF  }
0xc4: {  	(tm) =	ssettm $0x7FFFFFFF  }
0xc5: {  	_ =	shalt  }
tec
execute0_lowered:
.L_overlay_start_1:
0x0: {  	(tag) =	ssettag $0x1  }
0x1: {  	s5 =	rddreg [dreg:$0x0]  }
0x2: {  	s2 =	rddreg [dreg:$0x1]  }
0x3: {  	s1 =	srdreg.scid;
	s0 =	stileid.u32  }
0x4: {  	s3 =	rddreg [dreg:$0x2];
	s4 =	simm.s32 $0x0;
	s11 =	simm.s32 $0x1900  }
0x5: {  	s12 =	simm.s32 $0x3200;
	s13 =	simm.s32 $0x4B00;
	s14 =	simm.s32 $0x6800  }
0x6: {  	s15 =	simm.s32 $0x7000;
	s16 =	simm.s32 $0x1;
	s17 =	simm.s32 $0x6400  }
0x7: {  	v0 =	vimm.s32 $0x0;
	v5 =	vlaneseq.u32;
	s18 =	simm.s32 $0x2;
	s19 =	simm.s32 $0x3;
	s20 =	simm.s32 $0x4  }
0x8: {  	vm0 =	vcmask $0x1F00;
	v6 =	vimm.f32 $0.0e+00;
	v2 =	vimm.s32 $0x1;
	s21 =	simm.s32 $0x5;
	s22 =	simm.s32 $0x6;
	s23 =	simm.s32 $0x7200  }
0x9: {  	vm15 =	vcmask $0x2F20;
	s24 =	simm.s32 $0x7;
	s6 =	sand.u32 $0x1, s1;
	s7 =	sshll.u32 s0, $0x1;
	v1 =	vmul.u32 $0x40, v5;
	v3 =	vsel vm0, $0x3F800000, v6  }
0xa: {  	s25 =	simm.s32 $0x0;
	s1 =	rddreg [dreg:$0x3];
	v4 =	vand.u32 $0x7, v5;
	v5 =	vand.u32 $0x3, v5;
	v6 =	vsel vm15, $0x3F800000, v6;
	s7 =	sor.u32 s6, s7  }
0xb: {  	[smem:$0x7FF] =	sst s4;
	s6 =	ssub.s32 $0x2, s6;
	v7 =	vor.u32 $0x80, v4;
	v8 =	vor.u32 $0x100, v4;
	v9 =	vor.u32 $0x180, v4;
	s8 =	smul.u32 $0x6400, s7  }
0xc: {  	_ =	strace $0x80000047;
	v10 =	vor.u32 $0x200, v4;
	v11 =	vor.u32 $0x280, v4;
	v12 =	vor.u32 $0x300, v4;
	s7 =	sshll.u32 s7, $0x4;
	s31 =	sshrl.u32 s6, $0x1  }
0xd: {  	v13 =	vor.u32 $0x380, v4;
	v14 =	vor.u32 $0x400, v4;
	v15 =	vor.u32 $0x480, v4;
	s9 =	sadd.s32 s7, s2;
	s10 =	ssub.s32 s6, s31;
	s8 =	sshrl.u32 s8, $0x3  }
0xe: {  	v16 =	vor.u32 $0x500, v4;
	v17 =	vor.u32 $0x580, v4;
	v18 =	vor.u32 $0x600, v4;
	s9 =	sadd.s32 $0x200, s9;
	s10 =	smax.u32 s10, $0x1;
	s5 =	sadd.s32 s5, s8  }
0xf: {  	v19 =	vor.u32 $0x80, v5;
	v20 =	vor.u32 $0x100, v5;
	v21 =	vor.u32 $0x180, v5;
	s6 =	sadd.s32 $0x320, s5;
	s7 =	sadd.s32 $0x640, s5;
	s8 =	sadd.s32 $0x960, s5  }
.LBB2_1:
0x10: {  	[tilespmem:s4], [sflag:$0x1] =	stream.linear.gather [hbm4b:s5+s4], $0x1900, $0x38;
	[tilespmem:$0x7280] =	vst v63  }
0x11: {  	_ = 	snop  }
0x12: {  	[tilespmem:s11], [sflag:$0x2] =	stream.linear.gather [hbm4b:s6+s4], $0x1900, $0x38;
	[tilespmem:$0x7280] =	vst v63  }
0x13: {  	_ = 	snop  }
0x14: {  	[tilespmem:s12], [sflag:$0x3] =	stream.linear.gather [hbm4b:s7+s4], $0x1900, $0x38;
	[tilespmem:$0x7280] =	vst v63  }
0x15: {  	_ = 	snop  }
0x16: {  	[tilespmem:s13], [sflag:$0x4] =	stream.linear.gather [hbm4b:s8+s4], $0x1900, $0x38;
	[tilespmem:$0x7280] =	vst v63  }
0x17: {  	_ = 	snop  }
0x18: {  	[tilespmem:s14], [sflag:$0x5] =	stream.linear.gather [hbm4b:s2+s4], $0x680, $0x38;
	[tilespmem:$0x7280] =	vst v63  }
0x19: {  	_ = 	snop  }
0x1a: {  	[tilespmem:s15], [sflag:$0x6] =	stream.linear.gather [hbm4b:s3+s4], $0x200, $0x38;
	[tilespmem:$0x7280] =	vst v63  }
0x1b: {  	[tilespmem:$0x6400] =	vst v0  }
0x1c: {  	[tilespmem:$0x6410] =	vst v0  }
0x1d: {  	[tilespmem:$0x6420] =	vst v0  }
0x1e: {  	[tilespmem:$0x6430] =	vst v0  }
0x1f: {  	[tilespmem:$0x6440] =	vst v0  }
0x20: {  	[tilespmem:$0x6450] =	vst v0  }
0x21: {  	[tilespmem:$0x6460] =	vst v0  }
0x22: {  	[tilespmem:$0x6470] =	vst v0  }
0x23: {  	[tilespmem:$0x6480] =	vst v0  }
0x24: {  	[tilespmem:$0x6490] =	vst v0  }
0x25: {  	[tilespmem:$0x64A0] =	vst v0  }
0x26: {  	[tilespmem:$0x64B0] =	vst v0  }
0x27: {  	[tilespmem:$0x64C0] =	vst v0  }
0x28: {  	[tilespmem:$0x64D0] =	vst v0  }
0x29: {  	[tilespmem:$0x64E0] =	vst v0  }
0x2a: {  	[tilespmem:$0x64F0] =	vst v0  }
0x2b: {  	[tilespmem:$0x6500] =	vst v0  }
0x2c: {  	[tilespmem:$0x6510] =	vst v0  }
0x2d: {  	[tilespmem:$0x6520] =	vst v0  }
0x2e: {  	[tilespmem:$0x6530] =	vst v0  }
0x2f: {  	[tilespmem:$0x6540] =	vst v0  }
0x30: {  	[tilespmem:$0x6550] =	vst v0  }
0x31: {  	[tilespmem:$0x6560] =	vst v0  }
0x32: {  	[tilespmem:$0x6570] =	vst v0  }
0x33: {  	[tilespmem:$0x6580] =	vst v0  }
0x34: {  	[tilespmem:$0x6590] =	vst v0  }
0x35: {  	[tilespmem:$0x65A0] =	vst v0  }
0x36: {  	[tilespmem:$0x65B0] =	vst v0  }
0x37: {  	[tilespmem:$0x65C0] =	vst v0  }
0x38: {  	[tilespmem:$0x65D0] =	vst v0  }
0x39: {  	[tilespmem:$0x65E0] =	vst v0  }
0x3a: {  	[tilespmem:$0x65F0] =	vst v0  }
0x3b: {  	[tilespmem:$0x6600] =	vst v0  }
0x3c: {  	[tilespmem:$0x6610] =	vst v0  }
0x3d: {  	[tilespmem:$0x6620] =	vst v0  }
0x3e: {  	[tilespmem:$0x6630] =	vst v0  }
0x3f: {  	[tilespmem:$0x6640] =	vst v0  }
0x40: {  	[tilespmem:$0x6650] =	vst v0  }
0x41: {  	[tilespmem:$0x6660] =	vst v0  }
0x42: {  	[tilespmem:$0x6670] =	vst v0  }
0x43: {  	[tilespmem:$0x6680] =	vst v0  }
0x44: {  	[tilespmem:$0x6690] =	vst v0  }
0x45: {  	[tilespmem:$0x66A0] =	vst v0  }
0x46: {  	[tilespmem:$0x66B0] =	vst v0  }
0x47: {  	[tilespmem:$0x66C0] =	vst v0  }
0x48: {  	[tilespmem:$0x66D0] =	vst v0  }
0x49: {  	[tilespmem:$0x66E0] =	vst v0  }
0x4a: {  	[tilespmem:$0x66F0] =	vst v0  }
0x4b: {  	[tilespmem:$0x6700] =	vst v0  }
0x4c: {  	[tilespmem:$0x6710] =	vst v0  }
0x4d: {  	[tilespmem:$0x6720] =	vst v0  }
0x4e: {  	[tilespmem:$0x6730] =	vst v0  }
0x4f: {  	[tilespmem:$0x6740] =	vst v0  }
0x50: {  	[tilespmem:$0x6750] =	vst v0  }
0x51: {  	[tilespmem:$0x6760] =	vst v0  }
0x52: {  	[tilespmem:$0x6770] =	vst v0  }
0x53: {  	[tilespmem:$0x6780] =	vst v0  }
0x54: {  	[tilespmem:$0x6790] =	vst v0  }
0x55: {  	[tilespmem:$0x67A0] =	vst v0  }
0x56: {  	[tilespmem:$0x67B0] =	vst v0  }
0x57: {  	[tilespmem:$0x67C0] =	vst v0  }
0x58: {  	[tilespmem:$0x67D0] =	vst v0  }
0x59: {  	[tilespmem:$0x67E0] =	vst v0  }
0x5a: {  	[tilespmem:$0x67F0] =	vst v0  }
0x5b: {  	_ =	swait.ge [sflag:s16], $0x1900  }
0x5c: {  	[sflag:s16] =	ssyncset.done $0x0  }
0x5d: {  	s26 =	simm.s32 $0x80;
	[sflag:s16] =	ssyncadd.s32 $0xFFFFE700  }
0x5e: {  	v22 =	vld [tilespmem:s26+$0x10]  }
0x5f: {  	v23 =	vld [tilespmem:s26+$0x0]  }
0x60: {  	v24 =	vld [tilespmem:s26+$0xFFFFFF80]  }
0x61: {  	v25 =	vld [tilespmem:s26+$0x70]  }
0x62: {  	v26 =	vld [tilespmem:s26+$0xFFFFFFA0]  }
0x63: {  	v27 =	vld [tilespmem:s26+$0xFFFFFFB0]  }
0x64: {  	v28 =	vld [tilespmem:s26+$0xFFFFFFC0]  }
0x65: {  	v29 =	vld [tilespmem:s26+$0x60]  }
0x66: {  	v30 =	vld [tilespmem:s26+$0x50]  }
0x67: {  	v31 =	vld [tilespmem:s26+$0x40]  }
0x68: {  	v32 =	vld [tilespmem:s26+$0x30]  }
0x69: {  	v33 =	vld [tilespmem:s26+$0x20];
	v24 =	vadd.s32 v1, v24  }
0x6a: {  	v57 =	vld [tilespmem:s26+$0xFFFFFFF0];
	v25 =	vadd.s32 v1, v25  }
0x6b: {  	v59 =	vld [tilespmem:s26+$0xFFFFFFE0];
	v55 =	vadd.s32 v1, v29  }
0x6c: {  	v34 =	vld [tilespmem:s26+$0xFFFFFFD0];
	v56 =	vadd.s32 v1, v30  }
0x6d: {  	v61 =	vld [tilespmem:s26+$0xFFFFFF90];
	v58 =	vadd.s32 v1, v31  }
0x6e: {  	v22 =	vadd.s32 v1, v22;
	[tilespmem:v24+s17+$0x0] =	vst.idx.add.s32.msk $0xffff, v2  }
0x6f: {  	v33 =	vadd.s32 v1, v33;
	[tilespmem:v25+s17+$0x0] =	vst.idx.add.s32.msk $0xffff, v2  }
0x70: {  	v23 =	vadd.s32 v1, v23;
	[tilespmem:v55+s17+$0x0] =	vst.idx.add.s32.msk $0xffff, v2  }
0x71: {  	v60 =	vadd.s32 v1, v57;
	[tilespmem:v56+s17+$0x0] =	vst.idx.add.s32.msk $0xffff, v2  }
0x72: {  	v62 =	vadd.s32 v1, v32;
	[tilespmem:v58+s17+$0x0] =	vst.idx.add.s32.msk $0xffff, v2  }
0x73: {  	[tilespmem:v22+s17+$0x0] =	vst.idx.add.s32.msk $0xffff, v2;
	v22 =	vadd.s32 v1, v27  }
0x74: {  	v63 =	vadd.s32 v1, v34;
	[tilespmem:v33+s17+$0x0] =	vst.idx.add.s32.msk $0xffff, v2  }
0x75: {  	v28 =	vadd.s32 v1, v28;
	[tilespmem:v23+s17+$0x0] =	vst.idx.add.s32.msk $0xffff, v2  }
0x76: {  	v26 =	vadd.s32 v1, v26;
	[tilespmem:v60+s17+$0x0] =	vst.idx.add.s32.msk $0xffff, v2  }
0x77: {  	[tilespmem:v62+s17+$0x0] =	vst.idx.add.s32.msk $0xffff, v2;
	v23 =	vadd.s32 v1, v61  }
0x78: {  	[tilespmem:v22+s17+$0x0] =	vst.idx.add.s32.msk $0xffff, v2;
	v22 =	vadd.s32 v1, v59  }
0x79: {  	[tilespmem:v63+s17+$0x0] =	vst.idx.add.s32.msk $0xffff, v2  }
0x7a: {  	[tilespmem:v28+s17+$0x0] =	vst.idx.add.s32.msk $0xffff, v2  }
0x7b: {  	s28 =	simm.s32 $0x0;
	[tilespmem:v26+s17+$0x0] =	vst.idx.add.s32.msk $0xffff, v2  }
.LBB2_2:
0x7c: {  	s28 =	sadd.s32 $0x10, s28;
	[tilespmem:v23+s17+$0x0] =	vst.idx.add.s32.msk $0xffff, v2;
	s26 =	sadd.s32 $0x100, s26  }
0x7d: {  	p0 =	slt.u32 s28, $0x180;
	[tilespmem:v22+s17+$0x0] =	vst.idx.add.s32.msk $0xffff, v2  }
0x7e: {  	v22 =	vld [tilespmem:s26+$0x10]  }
0x7f: {  	v23 =	vld [tilespmem:s26+$0x0]  }
0x80: {  	v24 =	vld [tilespmem:s26+$0xFFFFFF80]  }
0x81: {  	v25 =	vld [tilespmem:s26+$0x70]  }
0x82: {  	v26 =	vld [tilespmem:s26+$0xFFFFFFA0]  }
0x83: {  	v27 =	vld [tilespmem:s26+$0xFFFFFFB0]  }
0x84: {  	v28 =	vld [tilespmem:s26+$0xFFFFFFC0]  }
0x85: {  	v24 =	vadd.s32 v1, v24;
	v29 =	vld [tilespmem:s26+$0x60]  }
0x86: {  	v30 =	vld [tilespmem:s26+$0x50];
	v25 =	vadd.s32 v1, v25  }
0x87: {  	v31 =	vld [tilespmem:s26+$0x40]  }
0x88: {  	v32 =	vld [tilespmem:s26+$0x30]  }
0x89: {  	v33 =	vld [tilespmem:s26+$0x20]  }
0x8a: {  	[tilespmem:v24+s17+$0x0] =	vst.idx.add.s32.msk $0xffff, v2;
	v24 =	vadd.s32 v1, v29  }
0x8b: {  	v29 =	vadd.s32 v1, v30;
	[tilespmem:v25+s17+$0x0] =	vst.idx.add.s32.msk $0xffff, v2  }
0x8c: {  	v25 =	vld [tilespmem:s26+$0xFFFFFFF0];
	v30 =	vadd.s32 v1, v31  }
0x8d: {  	v31 =	vld [tilespmem:s26+$0xFFFFFFE0]  }
0x8e: {  	v34 =	vld [tilespmem:s26+$0xFFFFFFD0];
	v33 =	vadd.s32 v1, v33  }
0x8f: {  	v35 =	vadd.s32 v1, v22;
	[tilespmem:v24+s17+$0x0] =	vst.idx.add.s32.msk $0xffff, v2  }
0x90: {  	v23 =	vadd.s32 v1, v23;
	[tilespmem:v29+s17+$0x0] =	vst.idx.add.s32.msk $0xffff, v2  }
0x91: {  	v24 =	vadd.s32 v1, v25;
	[tilespmem:v30+s17+$0x0] =	vst.idx.add.s32.msk $0xffff, v2  }
0x92: {  	v29 =	vadd.s32 v1, v32;
	v25 =	vld [tilespmem:s26+$0xFFFFFF90];
	v22 =	vadd.s32 v1, v31  }
0x93: {  	v30 =	vadd.s32 v1, v34;
	[tilespmem:v33+s17+$0x0] =	vst.idx.add.s32.msk $0xffff, v2  }
0x94: {  	v28 =	vadd.s32 v1, v28;
	[tilespmem:v35+s17+$0x0] =	vst.idx.add.s32.msk $0xffff, v2  }
0x95: {  	v27 =	vadd.s32 v1, v27;
	[tilespmem:v23+s17+$0x0] =	vst.idx.add.s32.msk $0xffff, v2  }
0x96: {  	v26 =	vadd.s32 v1, v26;
	[tilespmem:v24+s17+$0x0] =	vst.idx.add.s32.msk $0xffff, v2  }
.Ltmp0:
0x97: {  	v23 =	vadd.s32 v1, v25;
	[tilespmem:v29+s17+$0x0] =	vst.idx.add.s32.msk $0xffff, v2;
	(pc) =	sbr.rel @p0 .LBB2_2-.Ltmp0, $4  }
0x98: {  	[tilespmem:v30+s17+$0x0] =	vst.idx.add.s32.msk $0xffff, v2  }
0x99: {  	[tilespmem:v28+s17+$0x0] =	vst.idx.add.s32.msk $0xffff, v2  }
0x9a: {  	[tilespmem:v27+s17+$0x0] =	vst.idx.add.s32.msk $0xffff, v2  }
0x9b: {  	[tilespmem:v26+s17+$0x0] =	vst.idx.add.s32.msk $0xffff, v2  }
0x9c: {  	_ =	sdelay $0x3  }
0x9d: {  	[tilespmem:v23+s17+$0x0] =	vst.idx.add.s32.msk $0xffff, v2  }
0x9e: {  	[tilespmem:v22+s17+$0x0] =	vst.idx.add.s32.msk $0xffff, v2  }
0x9f: {  	_ =	swait.ge [sflag:s18], $0x1900  }
0xa0: {  	[sflag:s18] =	ssyncset.done $0x0  }
0xa1: {  	s26 =	simm.s32 $0x19F0;
	[sflag:s18] =	ssyncadd.s32 $0xFFFFE700  }
0xa2: {  	v22 =	vld [tilespmem:s26+$0xFFFFFFA0]  }
0xa3: {  	v23 =	vld [tilespmem:s26+$0xFFFFFF90]  }
0xa4: {  	v24 =	vld [tilespmem:s26+$0xFFFFFF10]  }
0xa5: {  	v25 =	vld [tilespmem:s26+$0x0]  }
0xa6: {  	v26 =	vld [tilespmem:s26+$0xFFFFFF30]  }
0xa7: {  	v27 =	vld [tilespmem:s26+$0xFFFFFF40]  }
0xa8: {  	v28 =	vld [tilespmem:s26+$0xFFFFFF50]  }
0xa9: {  	v29 =	vld [tilespmem:s26+$0xFFFFFFF0]  }
0xaa: {  	v30 =	vld [tilespmem:s26+$0xFFFFFFE0]  }
0xab: {  	v31 =	vld [tilespmem:s26+$0xFFFFFFD0]  }
0xac: {  	v32 =	vld [tilespmem:s26+$0xFFFFFFC0]  }
0xad: {  	v33 =	vld [tilespmem:s26+$0xFFFFFFB0];
	v24 =	vadd.s32 v1, v24  }
0xae: {  	v57 =	vld [tilespmem:s26+$0xFFFFFF80];
	v25 =	vadd.s32 v1, v25  }
0xaf: {  	v59 =	vld [tilespmem:s26+$0xFFFFFF70];
	v55 =	vadd.s32 v1, v29  }
0xb0: {  	v34 =	vld [tilespmem:s26+$0xFFFFFF60];
	v56 =	vadd.s32 v1, v30  }
0xb1: {  	v61 =	vld [tilespmem:s26+$0xFFFFFF20];
	v58 =	vadd.s32 v1, v31  }
0xb2: {  	v22 =	vadd.s32 v1, v22;
	[tilespmem:v24+s17+$0x0] =	vst.idx.add.s32.msk $0xffff, v2  }
0xb3: {  	v33 =	vadd.s32 v1, v33;
	[tilespmem:v25+s17+$0x0] =	vst.idx.add.s32.msk $0xffff, v2  }
0xb4: {  	v23 =	vadd.s32 v1, v23;
	[tilespmem:v55+s17+$0x0] =	vst.idx.add.s32.msk $0xffff, v2  }
0xb5: {  	v60 =	vadd.s32 v1, v57;
	[tilespmem:v56+s17+$0x0] =	vst.idx.add.s32.msk $0xffff, v2  }
0xb6: {  	v62 =	vadd.s32 v1, v32;
	[tilespmem:v58+s17+$0x0] =	vst.idx.add.s32.msk $0xffff, v2  }
0xb7: {  	[tilespmem:v22+s17+$0x0] =	vst.idx.add.s32.msk $0xffff, v2;
	v22 =	vadd.s32 v1, v27  }
0xb8: {  	v63 =	vadd.s32 v1, v34;
	[tilespmem:v33+s17+$0x0] =	vst.idx.add.s32.msk $0xffff, v2  }
0xb9: {  	v28 =	vadd.s32 v1, v28;
	[tilespmem:v23+s17+$0x0] =	vst.idx.add.s32.msk $0xffff, v2  }
0xba: {  	v26 =	vadd.s32 v1, v26;
	[tilespmem:v60+s17+$0x0] =	vst.idx.add.s32.msk $0xffff, v2  }
0xbb: {  	[tilespmem:v62+s17+$0x0] =	vst.idx.add.s32.msk $0xffff, v2;
	v23 =	vadd.s32 v1, v61  }
0xbc: {  	[tilespmem:v22+s17+$0x0] =	vst.idx.add.s32.msk $0xffff, v2;
	v22 =	vadd.s32 v1, v59  }
0xbd: {  	[tilespmem:v63+s17+$0x0] =	vst.idx.add.s32.msk $0xffff, v2  }
0xbe: {  	[tilespmem:v28+s17+$0x0] =	vst.idx.add.s32.msk $0xffff, v2  }
0xbf: {  	s28 =	simm.s32 $0x190;
	[tilespmem:v26+s17+$0x0] =	vst.idx.add.s32.msk $0xffff, v2  }
.LBB2_4:
0xc0: {  	s28 =	sadd.s32 $0x10, s28;
	[tilespmem:v23+s17+$0x0] =	vst.idx.add.s32.msk $0xffff, v2;
	s26 =	sadd.s32 $0x100, s26  }
0xc1: {  	p0 =	slt.u32 s28, $0x310;
	[tilespmem:v22+s17+$0x0] =	vst.idx.add.s32.msk $0xffff, v2  }
0xc2: {  	v22 =	vld [tilespmem:s26+$0xFFFFFFA0]  }
0xc3: {  	v23 =	vld [tilespmem:s26+$0xFFFFFF90]  }
0xc4: {  	v24 =	vld [tilespmem:s26+$0xFFFFFF10]  }
0xc5: {  	v25 =	vld [tilespmem:s26+$0x0]  }
0xc6: {  	v26 =	vld [tilespmem:s26+$0xFFFFFF30]  }
0xc7: {  	v27 =	vld [tilespmem:s26+$0xFFFFFF40]  }
0xc8: {  	v28 =	vld [tilespmem:s26+$0xFFFFFF50]  }
0xc9: {  	v24 =	vadd.s32 v1, v24;
	v29 =	vld [tilespmem:s26+$0xFFFFFFF0]  }
0xca: {  	v30 =	vld [tilespmem:s26+$0xFFFFFFE0];
	v25 =	vadd.s32 v1, v25  }
0xcb: {  	v31 =	vld [tilespmem:s26+$0xFFFFFFD0]  }
0xcc: {  	v32 =	vld [tilespmem:s26+$0xFFFFFFC0]  }
0xcd: {  	v33 =	vld [tilespmem:s26+$0xFFFFFFB0]  }
0xce: {  	[tilespmem:v24+s17+$0x0] =	vst.idx.add.s32.msk $0xffff, v2;
	v24 =	vadd.s32 v1, v29  }
0xcf: {  	v29 =	vadd.s32 v1, v30;
	[tilespmem:v25+s17+$0x0] =	vst.idx.add.s32.msk $0xffff, v2  }
0xd0: {  	v25 =	vld [tilespmem:s26+$0xFFFFFF80];
	v30 =	vadd.s32 v1, v31  }
0xd1: {  	v31 =	vld [tilespmem:s26+$0xFFFFFF70]  }
0xd2: {  	v34 =	vld [tilespmem:s26+$0xFFFFFF60];
	v33 =	vadd.s32 v1, v33  }
0xd3: {  	v35 =	vadd.s32 v1, v22;
	[tilespmem:v24+s17+$0x0] =	vst.idx.add.s32.msk $0xffff, v2  }
0xd4: {  	v23 =	vadd.s32 v1, v23;
	[tilespmem:v29+s17+$0x0] =	vst.idx.add.s32.msk $0xffff, v2  }
0xd5: {  	v24 =	vadd.s32 v1, v25;
	[tilespmem:v30+s17+$0x0] =	vst.idx.add.s32.msk $0xffff, v2  }
0xd6: {  	v29 =	vadd.s32 v1, v32;
	v25 =	vld [tilespmem:s26+$0xFFFFFF20];
	v22 =	vadd.s32 v1, v31  }
0xd7: {  	v30 =	vadd.s32 v1, v34;
	[tilespmem:v33+s17+$0x0] =	vst.idx.add.s32.msk $0xffff, v2  }
0xd8: {  	v28 =	vadd.s32 v1, v28;
	[tilespmem:v35+s17+$0x0] =	vst.idx.add.s32.msk $0xffff, v2  }
0xd9: {  	v27 =	vadd.s32 v1, v27;
	[tilespmem:v23+s17+$0x0] =	vst.idx.add.s32.msk $0xffff, v2  }
0xda: {  	v26 =	vadd.s32 v1, v26;
	[tilespmem:v24+s17+$0x0] =	vst.idx.add.s32.msk $0xffff, v2  }
.Ltmp1:
0xdb: {  	v23 =	vadd.s32 v1, v25;
	[tilespmem:v29+s17+$0x0] =	vst.idx.add.s32.msk $0xffff, v2;
	(pc) =	sbr.rel @p0 .LBB2_4-.Ltmp1, $4  }
0xdc: {  	[tilespmem:v30+s17+$0x0] =	vst.idx.add.s32.msk $0xffff, v2  }
0xdd: {  	[tilespmem:v28+s17+$0x0] =	vst.idx.add.s32.msk $0xffff, v2  }
0xde: {  	[tilespmem:v27+s17+$0x0] =	vst.idx.add.s32.msk $0xffff, v2  }
0xdf: {  	[tilespmem:v26+s17+$0x0] =	vst.idx.add.s32.msk $0xffff, v2  }
0xe0: {  	_ =	sdelay $0x3  }
0xe1: {  	[tilespmem:v23+s17+$0x0] =	vst.idx.add.s32.msk $0xffff, v2  }
0xe2: {  	[tilespmem:v22+s17+$0x0] =	vst.idx.add.s32.msk $0xffff, v2  }
0xe3: {  	_ =	swait.ge [sflag:s19], $0x1900  }
0xe4: {  	[sflag:s19] =	ssyncset.done $0x0  }
0xe5: {  	s26 =	simm.s32 $0x32F0;
	[sflag:s19] =	ssyncadd.s32 $0xFFFFE700  }
0xe6: {  	v22 =	vld [tilespmem:s26+$0xFFFFFFA0]  }
0xe7: {  	v23 =	vld [tilespmem:s26+$0xFFFFFF90]  }
0xe8: {  	v24 =	vld [tilespmem:s26+$0xFFFFFF10]  }
0xe9: {  	v25 =	vld [tilespmem:s26+$0x0]  }
0xea: {  	v26 =	vld [tilespmem:s26+$0xFFFFFF30]  }
0xeb: {  	v27 =	vld [tilespmem:s26+$0xFFFFFF40]  }
0xec: {  	v28 =	vld [tilespmem:s26+$0xFFFFFF50]  }
0xed: {  	v29 =	vld [tilespmem:s26+$0xFFFFFFF0]  }
0xee: {  	v30 =	vld [tilespmem:s26+$0xFFFFFFE0]  }
0xef: {  	v31 =	vld [tilespmem:s26+$0xFFFFFFD0]  }
0xf0: {  	v32 =	vld [tilespmem:s26+$0xFFFFFFC0]  }
0xf1: {  	v33 =	vld [tilespmem:s26+$0xFFFFFFB0];
	v24 =	vadd.s32 v1, v24  }
0xf2: {  	v57 =	vld [tilespmem:s26+$0xFFFFFF80];
	v25 =	vadd.s32 v1, v25  }
0xf3: {  	v59 =	vld [tilespmem:s26+$0xFFFFFF70];
	v55 =	vadd.s32 v1, v29  }
0xf4: {  	v34 =	vld [tilespmem:s26+$0xFFFFFF60];
	v56 =	vadd.s32 v1, v30  }
0xf5: {  	v61 =	vld [tilespmem:s26+$0xFFFFFF20];
	v58 =	vadd.s32 v1, v31  }
0xf6: {  	v22 =	vadd.s32 v1, v22;
	[tilespmem:v24+s17+$0x0] =	vst.idx.add.s32.msk $0xffff, v2  }
0xf7: {  	v33 =	vadd.s32 v1, v33;
	[tilespmem:v25+s17+$0x0] =	vst.idx.add.s32.msk $0xffff, v2  }
0xf8: {  	v23 =	vadd.s32 v1, v23;
	[tilespmem:v55+s17+$0x0] =	vst.idx.add.s32.msk $0xffff, v2  }
0xf9: {  	v60 =	vadd.s32 v1, v57;
	[tilespmem:v56+s17+$0x0] =	vst.idx.add.s32.msk $0xffff, v2  }
0xfa: {  	v62 =	vadd.s32 v1, v32;
	[tilespmem:v58+s17+$0x0] =	vst.idx.add.s32.msk $0xffff, v2  }
0xfb: {  	[tilespmem:v22+s17+$0x0] =	vst.idx.add.s32.msk $0xffff, v2;
	v22 =	vadd.s32 v1, v27  }
0xfc: {  	v63 =	vadd.s32 v1, v34;
	[tilespmem:v33+s17+$0x0] =	vst.idx.add.s32.msk $0xffff, v2  }
0xfd: {  	v28 =	vadd.s32 v1, v28;
	[tilespmem:v23+s17+$0x0] =	vst.idx.add.s32.msk $0xffff, v2  }
0xfe: {  	v26 =	vadd.s32 v1, v26;
	[tilespmem:v60+s17+$0x0] =	vst.idx.add.s32.msk $0xffff, v2  }
0xff: {  	[tilespmem:v62+s17+$0x0] =	vst.idx.add.s32.msk $0xffff, v2;
	v23 =	vadd.s32 v1, v61  }
0x100: {  	[tilespmem:v22+s17+$0x0] =	vst.idx.add.s32.msk $0xffff, v2;
	v22 =	vadd.s32 v1, v59  }
0x101: {  	[tilespmem:v63+s17+$0x0] =	vst.idx.add.s32.msk $0xffff, v2  }
0x102: {  	[tilespmem:v28+s17+$0x0] =	vst.idx.add.s32.msk $0xffff, v2  }
0x103: {  	s28 =	simm.s32 $0x320;
	[tilespmem:v26+s17+$0x0] =	vst.idx.add.s32.msk $0xffff, v2  }
.LBB2_6:
0x104: {  	s28 =	sadd.s32 $0x10, s28;
	[tilespmem:v23+s17+$0x0] =	vst.idx.add.s32.msk $0xffff, v2;
	s26 =	sadd.s32 $0x100, s26  }
0x105: {  	p0 =	slt.u32 s28, $0x4A0;
	[tilespmem:v22+s17+$0x0] =	vst.idx.add.s32.msk $0xffff, v2  }
0x106: {  	v22 =	vld [tilespmem:s26+$0xFFFFFFA0]  }
0x107: {  	v23 =	vld [tilespmem:s26+$0xFFFFFF90]  }
0x108: {  	v24 =	vld [tilespmem:s26+$0xFFFFFF10]  }
0x109: {  	v25 =	vld [tilespmem:s26+$0x0]  }
0x10a: {  	v26 =	vld [tilespmem:s26+$0xFFFFFF30]  }
0x10b: {  	v27 =	vld [tilespmem:s26+$0xFFFFFF40]  }
0x10c: {  	v28 =	vld [tilespmem:s26+$0xFFFFFF50]  }
0x10d: {  	v24 =	vadd.s32 v1, v24;
	v29 =	vld [tilespmem:s26+$0xFFFFFFF0]  }
0x10e: {  	v30 =	vld [tilespmem:s26+$0xFFFFFFE0];
	v25 =	vadd.s32 v1, v25  }
0x10f: {  	v31 =	vld [tilespmem:s26+$0xFFFFFFD0]  }
0x110: {  	v32 =	vld [tilespmem:s26+$0xFFFFFFC0]  }
0x111: {  	v33 =	vld [tilespmem:s26+$0xFFFFFFB0]  }
0x112: {  	[tilespmem:v24+s17+$0x0] =	vst.idx.add.s32.msk $0xffff, v2;
	v24 =	vadd.s32 v1, v29  }
0x113: {  	v29 =	vadd.s32 v1, v30;
	[tilespmem:v25+s17+$0x0] =	vst.idx.add.s32.msk $0xffff, v2  }
0x114: {  	v25 =	vld [tilespmem:s26+$0xFFFFFF80];
	v30 =	vadd.s32 v1, v31  }
0x115: {  	v31 =	vld [tilespmem:s26+$0xFFFFFF70]  }
0x116: {  	v34 =	vld [tilespmem:s26+$0xFFFFFF60];
	v33 =	vadd.s32 v1, v33  }
0x117: {  	v35 =	vadd.s32 v1, v22;
	[tilespmem:v24+s17+$0x0] =	vst.idx.add.s32.msk $0xffff, v2  }
0x118: {  	v23 =	vadd.s32 v1, v23;
	[tilespmem:v29+s17+$0x0] =	vst.idx.add.s32.msk $0xffff, v2  }
0x119: {  	v24 =	vadd.s32 v1, v25;
	[tilespmem:v30+s17+$0x0] =	vst.idx.add.s32.msk $0xffff, v2  }
0x11a: {  	v29 =	vadd.s32 v1, v32;
	v25 =	vld [tilespmem:s26+$0xFFFFFF20];
	v22 =	vadd.s32 v1, v31  }
0x11b: {  	v30 =	vadd.s32 v1, v34;
	[tilespmem:v33+s17+$0x0] =	vst.idx.add.s32.msk $0xffff, v2  }
0x11c: {  	v28 =	vadd.s32 v1, v28;
	[tilespmem:v35+s17+$0x0] =	vst.idx.add.s32.msk $0xffff, v2  }
0x11d: {  	v27 =	vadd.s32 v1, v27;
	[tilespmem:v23+s17+$0x0] =	vst.idx.add.s32.msk $0xffff, v2  }
0x11e: {  	v26 =	vadd.s32 v1, v26;
	[tilespmem:v24+s17+$0x0] =	vst.idx.add.s32.msk $0xffff, v2  }
.Ltmp2:
0x11f: {  	v23 =	vadd.s32 v1, v25;
	[tilespmem:v29+s17+$0x0] =	vst.idx.add.s32.msk $0xffff, v2;
	(pc) =	sbr.rel @p0 .LBB2_6-.Ltmp2, $4  }
0x120: {  	[tilespmem:v30+s17+$0x0] =	vst.idx.add.s32.msk $0xffff, v2  }
0x121: {  	[tilespmem:v28+s17+$0x0] =	vst.idx.add.s32.msk $0xffff, v2  }
0x122: {  	[tilespmem:v27+s17+$0x0] =	vst.idx.add.s32.msk $0xffff, v2  }
0x123: {  	[tilespmem:v26+s17+$0x0] =	vst.idx.add.s32.msk $0xffff, v2  }
0x124: {  	_ =	sdelay $0x3  }
0x125: {  	[tilespmem:v23+s17+$0x0] =	vst.idx.add.s32.msk $0xffff, v2  }
0x126: {  	[tilespmem:v22+s17+$0x0] =	vst.idx.add.s32.msk $0xffff, v2  }
0x127: {  	_ =	swait.ge [sflag:s20], $0x1900  }
0x128: {  	[sflag:s20] =	ssyncset.done $0x0  }
0x129: {  	s26 =	simm.s32 $0x4BF0;
	[sflag:s20] =	ssyncadd.s32 $0xFFFFE700  }
0x12a: {  	v22 =	vld [tilespmem:s26+$0xFFFFFFA0]  }
0x12b: {  	v23 =	vld [tilespmem:s26+$0xFFFFFF90]  }
0x12c: {  	v24 =	vld [tilespmem:s26+$0xFFFFFF10]  }
0x12d: {  	v25 =	vld [tilespmem:s26+$0x0]  }
0x12e: {  	v26 =	vld [tilespmem:s26+$0xFFFFFF30]  }
0x12f: {  	v27 =	vld [tilespmem:s26+$0xFFFFFF40]  }
0x130: {  	v28 =	vld [tilespmem:s26+$0xFFFFFF50]  }
0x131: {  	v29 =	vld [tilespmem:s26+$0xFFFFFFF0]  }
0x132: {  	v30 =	vld [tilespmem:s26+$0xFFFFFFE0]  }
0x133: {  	v31 =	vld [tilespmem:s26+$0xFFFFFFD0]  }
0x134: {  	v32 =	vld [tilespmem:s26+$0xFFFFFFC0]  }
0x135: {  	v33 =	vld [tilespmem:s26+$0xFFFFFFB0];
	v24 =	vadd.s32 v1, v24  }
0x136: {  	v57 =	vld [tilespmem:s26+$0xFFFFFF80];
	v25 =	vadd.s32 v1, v25  }
0x137: {  	v59 =	vld [tilespmem:s26+$0xFFFFFF70];
	v55 =	vadd.s32 v1, v29  }
0x138: {  	v34 =	vld [tilespmem:s26+$0xFFFFFF60];
	v56 =	vadd.s32 v1, v30  }
0x139: {  	v61 =	vld [tilespmem:s26+$0xFFFFFF20];
	v58 =	vadd.s32 v1, v31  }
0x13a: {  	v22 =	vadd.s32 v1, v22;
	[tilespmem:v24+s17+$0x0] =	vst.idx.add.s32.msk $0xffff, v2  }
0x13b: {  	v33 =	vadd.s32 v1, v33;
	[tilespmem:v25+s17+$0x0] =	vst.idx.add.s32.msk $0xffff, v2  }
0x13c: {  	v23 =	vadd.s32 v1, v23;
	[tilespmem:v55+s17+$0x0] =	vst.idx.add.s32.msk $0xffff, v2  }
0x13d: {  	v60 =	vadd.s32 v1, v57;
	[tilespmem:v56+s17+$0x0] =	vst.idx.add.s32.msk $0xffff, v2  }
0x13e: {  	v62 =	vadd.s32 v1, v32;
	[tilespmem:v58+s17+$0x0] =	vst.idx.add.s32.msk $0xffff, v2  }
0x13f: {  	[tilespmem:v22+s17+$0x0] =	vst.idx.add.s32.msk $0xffff, v2;
	v22 =	vadd.s32 v1, v27  }
0x140: {  	v63 =	vadd.s32 v1, v34;
	[tilespmem:v33+s17+$0x0] =	vst.idx.add.s32.msk $0xffff, v2  }
0x141: {  	v28 =	vadd.s32 v1, v28;
	[tilespmem:v23+s17+$0x0] =	vst.idx.add.s32.msk $0xffff, v2  }
0x142: {  	v26 =	vadd.s32 v1, v26;
	[tilespmem:v60+s17+$0x0] =	vst.idx.add.s32.msk $0xffff, v2  }
0x143: {  	[tilespmem:v62+s17+$0x0] =	vst.idx.add.s32.msk $0xffff, v2;
	v23 =	vadd.s32 v1, v61  }
0x144: {  	[tilespmem:v22+s17+$0x0] =	vst.idx.add.s32.msk $0xffff, v2;
	v22 =	vadd.s32 v1, v59  }
0x145: {  	[tilespmem:v63+s17+$0x0] =	vst.idx.add.s32.msk $0xffff, v2  }
0x146: {  	[tilespmem:v28+s17+$0x0] =	vst.idx.add.s32.msk $0xffff, v2  }
0x147: {  	s28 =	simm.s32 $0x4B0;
	[tilespmem:v26+s17+$0x0] =	vst.idx.add.s32.msk $0xffff, v2  }
.LBB2_8:
0x148: {  	s28 =	sadd.s32 $0x10, s28;
	[tilespmem:v23+s17+$0x0] =	vst.idx.add.s32.msk $0xffff, v2;
	s26 =	sadd.s32 $0x100, s26  }
0x149: {  	p0 =	slt.u32 s28, $0x630;
	[tilespmem:v22+s17+$0x0] =	vst.idx.add.s32.msk $0xffff, v2  }
0x14a: {  	v22 =	vld [tilespmem:s26+$0xFFFFFFA0]  }
0x14b: {  	v23 =	vld [tilespmem:s26+$0xFFFFFF90]  }
0x14c: {  	v24 =	vld [tilespmem:s26+$0xFFFFFF10]  }
0x14d: {  	v25 =	vld [tilespmem:s26+$0x0]  }
0x14e: {  	v26 =	vld [tilespmem:s26+$0xFFFFFF30]  }
0x14f: {  	v27 =	vld [tilespmem:s26+$0xFFFFFF40]  }
0x150: {  	v28 =	vld [tilespmem:s26+$0xFFFFFF50]  }
0x151: {  	v24 =	vadd.s32 v1, v24;
	v29 =	vld [tilespmem:s26+$0xFFFFFFF0]  }
0x152: {  	v30 =	vld [tilespmem:s26+$0xFFFFFFE0];
	v25 =	vadd.s32 v1, v25  }
0x153: {  	v31 =	vld [tilespmem:s26+$0xFFFFFFD0]  }
0x154: {  	v32 =	vld [tilespmem:s26+$0xFFFFFFC0]  }
0x155: {  	v33 =	vld [tilespmem:s26+$0xFFFFFFB0]  }
0x156: {  	[tilespmem:v24+s17+$0x0] =	vst.idx.add.s32.msk $0xffff, v2;
	v24 =	vadd.s32 v1, v29  }
0x157: {  	v29 =	vadd.s32 v1, v30;
	[tilespmem:v25+s17+$0x0] =	vst.idx.add.s32.msk $0xffff, v2  }
0x158: {  	v25 =	vld [tilespmem:s26+$0xFFFFFF80];
	v30 =	vadd.s32 v1, v31  }
0x159: {  	v31 =	vld [tilespmem:s26+$0xFFFFFF70]  }
0x15a: {  	v34 =	vld [tilespmem:s26+$0xFFFFFF60];
	v33 =	vadd.s32 v1, v33  }
0x15b: {  	v35 =	vadd.s32 v1, v22;
	[tilespmem:v24+s17+$0x0] =	vst.idx.add.s32.msk $0xffff, v2  }
0x15c: {  	v23 =	vadd.s32 v1, v23;
	[tilespmem:v29+s17+$0x0] =	vst.idx.add.s32.msk $0xffff, v2  }
0x15d: {  	v24 =	vadd.s32 v1, v25;
	[tilespmem:v30+s17+$0x0] =	vst.idx.add.s32.msk $0xffff, v2  }
0x15e: {  	v29 =	vadd.s32 v1, v32;
	v25 =	vld [tilespmem:s26+$0xFFFFFF20];
	v22 =	vadd.s32 v1, v31  }
0x15f: {  	v30 =	vadd.s32 v1, v34;
	[tilespmem:v33+s17+$0x0] =	vst.idx.add.s32.msk $0xffff, v2  }
0x160: {  	v28 =	vadd.s32 v1, v28;
	[tilespmem:v35+s17+$0x0] =	vst.idx.add.s32.msk $0xffff, v2  }
0x161: {  	v27 =	vadd.s32 v1, v27;
	[tilespmem:v23+s17+$0x0] =	vst.idx.add.s32.msk $0xffff, v2  }
0x162: {  	v26 =	vadd.s32 v1, v26;
	[tilespmem:v24+s17+$0x0] =	vst.idx.add.s32.msk $0xffff, v2  }
.Ltmp3:
0x163: {  	v23 =	vadd.s32 v1, v25;
	[tilespmem:v29+s17+$0x0] =	vst.idx.add.s32.msk $0xffff, v2;
	(pc) =	sbr.rel @p0 .LBB2_8-.Ltmp3, $4  }
0x164: {  	[tilespmem:v30+s17+$0x0] =	vst.idx.add.s32.msk $0xffff, v2  }
0x165: {  	[tilespmem:v28+s17+$0x0] =	vst.idx.add.s32.msk $0xffff, v2  }
0x166: {  	[tilespmem:v27+s17+$0x0] =	vst.idx.add.s32.msk $0xffff, v2  }
0x167: {  	[tilespmem:v26+s17+$0x0] =	vst.idx.add.s32.msk $0xffff, v2  }
0x168: {  	_ =	sdelay $0x3  }
0x169: {  	[tilespmem:v23+s17+$0x0] =	vst.idx.add.s32.msk $0xffff, v2  }
0x16a: {  	[tilespmem:v22+s17+$0x0] =	vst.idx.add.s32.msk $0xffff, v2  }
0x16b: {  	_ =	swait.ge [sflag:s21], $0x680  }
0x16c: {  	[sflag:s21] =	ssyncset.done $0x0  }
0x16d: {  	[sflag:s21] =	ssyncadd.s32 $0xFFFFF980  }
0x16e: {  	_ =	swait.ge [sflag:s22], $0x200  }
0x16f: {  	[sflag:s22] =	ssyncset.done $0x0  }
0x170: {  	[sflag:s22] =	ssyncadd.s32 $0xFFFFFE00  }
0x171: {  	v22 =	vld [tilespmem:$0x6400]  }
0x172: {  	v23 =	vld [tilespmem:$0x6440]  }
0x173: {  	v24 =	vld [tilespmem:$0x6480]  }
0x174: {  	v25 =	vld [tilespmem:$0x64C0]  }
0x175: {  	v26 =	vld [tilespmem:$0x6500]  }
0x176: {  	v27 =	vld [tilespmem:$0x6540]  }
0x177: {  	v22 =	vadd.s32 v22, v23;
	v23 =	vld [tilespmem:$0x6580]  }
0x178: {  	v48 =	vld [tilespmem:$0x65C0];
	v22 =	vadd.s32 v24, v22  }
0x179: {  	v49 =	vld [tilespmem:$0x6600];
	v22 =	vadd.s32 v25, v22  }
0x17a: {  	v50 =	vld [tilespmem:$0x6640];
	v22 =	vadd.s32 v26, v22  }
0x17b: {  	v51 =	vld [tilespmem:$0x6680];
	v22 =	vadd.s32 v27, v22  }
0x17c: {  	v22 =	vadd.s32 v23, v22;
	v23 =	vld [tilespmem:$0x66C0]  }
0x17d: {  	v52 =	vld [tilespmem:$0x6700];
	v22 =	vadd.s32 v48, v22  }
0x17e: {  	v53 =	vld [tilespmem:$0x6740];
	v22 =	vadd.s32 v49, v22  }
0x17f: {  	v54 =	vld [tilespmem:$0x6780];
	v22 =	vadd.s32 v50, v22  }
0x180: {  	v55 =	vld [tilespmem:$0x67C0];
	v22 =	vadd.s32 v51, v22  }
0x181: {  	v56 =	vld.idx.msk [tilespmem:v5+s15+$0x0], $0xffff;
	v22 =	vadd.s32 v23, v22  }
0x182: {  	v23 =	vld.idx.msk [tilespmem:v4+s14+$0x0], $0xffff;
	v22 =	vadd.s32 v52, v22  }
0x183: {  	v22 =	vadd.s32 v53, v22  }
0x184: {  	v57 =	vld.idx.msk [tilespmem:v7+s14+$0x0], $0xffff;
	v22 =	vadd.s32 v54, v22  }
0x185: {  	v22 =	vadd.s32 v55, v22  }
0x186: {  	v35 =	vcvt.s32.f32 v22;
	v22 =	vld.idx.msk [tilespmem:v8+s14+$0x0], $0xffff  }
0x187: {  	v59 =	vld.idx.msk [tilespmem:v9+s14+$0x0], $0xffff;
	v36 =	vmul.f32 v6, v56;
	v30 =	vmul.f32 v3, v23  }
0x188: {  	v32 =	vld.idx.msk [tilespmem:v11+s14+$0x0], $0xffff  }
0x189: {  	v63 =	vld [tilespmem:$0x6410];
	v28 =	vmul.f32 v3, v57;
	v23 =	vadd.f32 v36, v30;
	v58 =	vbroadcast v35, $0x0  }
0x18a: {  	v34 =	vld.idx.msk [tilespmem:v12+s14+$0x0], $0xffff;
	v61 =	vbroadcast v35, $0x1  }
0x18b: {  	v60 =	vadd.f32 v28, v36;
	v23 =	vmul.f32 v23, v58;
	v27 =	vmul.f32 v3, v22;
	v22 =	vld.idx.msk [tilespmem:v10+s14+$0x0], $0xffff  }
0x18c: {  	v37 =	vld [tilespmem:$0x6450]  }
0x18d: {  	v47 =	vld.idx.msk [tilespmem:v13+s14+$0x0], $0xffff;
	v31 =	vbroadcast v35, $0x2;
	v24 =	vmul.f32 v60, v61;
	v29 =	vadd.f32 $0.0e+00, v23  }
0x18e: {  	v38 =	vld [tilespmem:$0x6490];
	v33 =	vbroadcast v35, $0x3;
	v23 =	vmul.f32 v3, v59;
	v62 =	vadd.f32 v27, v36  }
0x18f: {  	v39 =	vld [tilespmem:$0x64D0];
	v46 =	vbroadcast v35, $0x4;
	v40 =	vbroadcast v35, $0x5;
	v24 =	vadd.f32 v24, v29  }
0x190: {  	v49 =	vld.idx.msk [tilespmem:v14+s14+$0x0], $0xffff;
	v43 =	vadd.f32 v23, v36;
	v26 =	vmul.f32 v62, v31;
	v25 =	vmul.f32 v3, v22  }
0x191: {  	v56 =	vld.idx.msk [tilespmem:v16+s14+$0x0], $0xffff;
	v41 =	vbroadcast v35, $0x6;
	v29 =	vadd.s32 v63, v37;
	v22 =	vmul.f32 v3, v32  }
0x192: {  	v57 =	vld [tilespmem:$0x65D0];
	v44 =	vmul.f32 v43, v33;
	v24 =	vadd.f32 v26, v24;
	v45 =	vadd.f32 v25, v36  }
0x193: {  	v50 =	vld [tilespmem:$0x6510];
	v42 =	vbroadcast v35, $0x7;
	v29 =	vadd.s32 v38, v29;
	v48 =	vadd.f32 v22, v36  }
0x194: {  	v52 =	vld.idx.msk [tilespmem:v15+s14+$0x0], $0xffff;
	v26 =	vadd.f32 v44, v24;
	v24 =	vmul.f32 v3, v34;
	v31 =	vmul.f32 v45, v46  }
0x195: {  	v53 =	vld [tilespmem:$0x6550];
	v39 =	vadd.s32 v39, v29;
	v29 =	vmul.f32 v3, v49;
	v33 =	vmul.f32 v48, v40  }
0x196: {  	v54 =	vld [tilespmem:$0x6590];
	v51 =	vadd.f32 v24, v36;
	v31 =	vadd.f32 v31, v26;
	v26 =	vmul.f32 v3, v47  }
0x197: {  	v60 =	vld [tilespmem:$0x6610];
	v43 =	vbroadcast v35, $0x8;
	v49 =	vbroadcast v35, $0x9  }
0x198: {  	v44 =	vld.idx.msk [tilespmem:v17+s14+$0x0], $0xffff;
	v40 =	vmul.f32 v51, v41;
	v31 =	vadd.f32 v33, v31;
	v55 =	vadd.f32 v26, v36  }
0x199: {  	v62 =	vld [tilespmem:$0x6650];
	v32 =	vmul.f32 v3, v56;
	v37 =	vadd.s32 v50, v39;
	v58 =	vadd.f32 v29, v36  }
0x19a: {  	v50 =	vld.idx.msk [tilespmem:v18+s14+$0x0], $0xffff;
	v40 =	vadd.f32 v40, v31;
	v41 =	vmul.f32 v55, v42;
	v31 =	vmul.f32 v3, v52  }
0x19b: {  	v59 =	vadd.s32 v53, v37;
	v53 =	vbroadcast v35, $0xA;
	v63 =	vmul.f32 v58, v43;
	v45 =	vld [tilespmem:$0x6690]  }
0x19c: {  	v33 =	vadd.s32 v54, v59;
	v54 =	vld.idx.msk [tilespmem:v19+s15+$0x0], $0xffff;
	v61 =	vadd.f32 v41, v40;
	v48 =	vadd.f32 v31, v36  }
0x19d: {  	v58 =	vbroadcast v35, $0xB;
	v39 =	vadd.s32 v57, v33;
	v33 =	vmul.f32 v3, v44  }
0x19e: {  	v52 =	vadd.f32 v32, v36;
	v55 =	vld [tilespmem:$0x66D0];
	v38 =	vadd.f32 v63, v61;
	v51 =	vmul.f32 v48, v49  }
0x19f: {  	v34 =	vmul.f32 v3, v50;
	v59 =	vld [tilespmem:$0x6710];
	v37 =	vadd.s32 v60, v39;
	v57 =	vadd.f32 v33, v36  }
0x1a0: {  	v60 =	vld [tilespmem:$0x6750];
	v37 =	vadd.s32 v62, v37;
	v56 =	vmul.f32 v52, v53;
	v38 =	vadd.f32 v51, v38  }
0x1a1: {  	v62 =	vld [tilespmem:$0x6790];
	v37 =	vadd.s32 v45, v37;
	v36 =	vadd.f32 v34, v36;
	v44 =	vmul.f32 v6, v54  }
0x1a2: {  	v61 =	vmul.f32 v57, v58;
	v63 =	vbroadcast v35, $0xC;
	v48 =	vld [tilespmem:$0x67D0];
	v38 =	vadd.f32 v56, v38  }
0x1a3: {  	v50 =	vbroadcast v35, $0xD;
	v37 =	vadd.s32 v55, v37;
	v49 =	vadd.f32 v44, v30  }
0x1a4: {  	v36 =	vmul.f32 v36, v63;
	v37 =	vadd.s32 v59, v37;
	v38 =	vadd.f32 v61, v38  }
0x1a5: {  	v53 =	vbroadcast v35, $0xE;
	v52 =	vadd.f32 v44, v28;
	v37 =	vadd.s32 v60, v37  }
0x1a6: {  	v51 =	vmul.f32 v49, v50;
	v37 =	vadd.s32 v62, v37;
	v36 =	vadd.f32 v36, v38  }
0x1a7: {  	v35 =	vbroadcast v35, $0xF;
	v55 =	vadd.f32 v44, v27;
	v37 =	vadd.s32 v48, v37  }
0x1a8: {  	v54 =	vmul.f32 v52, v53;
	v37 =	vcvt.s32.f32 v37;
	v36 =	vadd.f32 v51, v36  }
0x1a9: {  	v35 =	vmul.f32 v55, v35  }
0x1aa: {  	v56 =	vadd.f32 v44, v23;
	v57 =	vbroadcast v37, $0x0;
	v36 =	vadd.f32 v36, v54  }
0x1ab: {  	v59 =	vadd.f32 v44, v25  }
0x1ac: {  	v60 =	vbroadcast v37, $0x1;
	v58 =	vmul.f32 v56, v57;
	v35 =	vadd.f32 v36, v35  }
0x1ad: {  	v62 =	vadd.f32 v44, v22  }
0x1ae: {  	v63 =	vbroadcast v37, $0x2;
	v61 =	vmul.f32 v59, v60;
	v35 =	vadd.f32 v35, v58  }
0x1af: {  	v43 =	vadd.f32 v44, v24  }
0x1b0: {  	v45 =	vbroadcast v37, $0x3;
	v42 =	vmul.f32 v62, v63;
	v35 =	vadd.f32 v35, v61  }
0x1b1: {  	v47 =	vadd.f32 v44, v26  }
0x1b2: {  	v52 =	vld [tilespmem:$0x6420];
	v48 =	vbroadcast v37, $0x4;
	v46 =	vmul.f32 v43, v45;
	v35 =	vadd.f32 v35, v42  }
0x1b3: {  	v50 =	vadd.f32 v44, v29;
	v53 =	vld [tilespmem:$0x6460]  }
0x1b4: {  	v55 =	vld [tilespmem:$0x64A0];
	v49 =	vmul.f32 v47, v48;
	v51 =	vbroadcast v37, $0x5;
	v35 =	vadd.f32 v35, v46  }
0x1b5: {  	v56 =	vadd.f32 v44, v31;
	v58 =	vld [tilespmem:$0x64E0]  }
0x1b6: {  	v57 =	vbroadcast v37, $0x6;
	v59 =	vld [tilespmem:$0x6520];
	v54 =	vmul.f32 v50, v51;
	v35 =	vadd.f32 v35, v49  }
0x1b7: {  	v60 =	vadd.f32 v44, v32;
	v61 =	vbroadcast v37, $0x7;
	v46 =	vld.idx.msk [tilespmem:v20+s15+$0x0], $0xffff  }
0x1b8: {  	v40 =	vadd.s32 v52, v53;
	v62 =	vld [tilespmem:$0x6560];
	v39 =	vmul.f32 v56, v57;
	v35 =	vadd.f32 v35, v54  }
0x1b9: {  	v38 =	vadd.s32 v55, v40;
	v48 =	vld [tilespmem:$0x65A0];
	v50 =	vbroadcast v37, $0x8;
	v63 =	vmul.f32 v60, v61  }
0x1ba: {  	v51 =	vld [tilespmem:$0x65E0];
	v38 =	vadd.s32 v58, v38;
	v49 =	vadd.f32 v44, v33;
	v35 =	vadd.f32 v35, v39  }
0x1bb: {  	v52 =	vadd.f32 v44, v34;
	v53 =	vbroadcast v37, $0x9;
	v36 =	vadd.s32 v59, v38;
	v54 =	vld [tilespmem:$0x6620]  }
0x1bc: {  	v55 =	vld [tilespmem:$0x6660];
	v42 =	vmul.f32 v49, v50;
	v45 =	vmul.f32 v6, v46;
	v35 =	vadd.f32 v35, v63  }
0x1bd: {  	v56 =	vmul.f32 v52, v53;
	v57 =	vld [tilespmem:$0x66A0];
	v59 =	vbroadcast v37, $0xA;
	v36 =	vadd.s32 v62, v36  }
0x1be: {  	v60 =	vld [tilespmem:$0x66E0];
	v36 =	vadd.s32 v48, v36;
	v58 =	vadd.f32 v45, v30;
	v35 =	vadd.f32 v35, v42  }
0x1bf: {  	v48 =	vld [tilespmem:$0x6720];
	v36 =	vadd.s32 v51, v36;
	v62 =	vadd.f32 v45, v28;
	v63 =	vbroadcast v37, $0xB  }
0x1c0: {  	v49 =	vld [tilespmem:$0x6760];
	v61 =	vmul.f32 v58, v59;
	v36 =	vadd.s32 v54, v36;
	v35 =	vadd.f32 v35, v56  }
0x1c1: {  	v53 =	vbroadcast v37, $0xC;
	v51 =	vld [tilespmem:$0x67A0];
	v52 =	vadd.f32 v45, v27;
	v36 =	vadd.s32 v55, v36  }
0x1c2: {  	v54 =	vld [tilespmem:$0x67E0];
	v50 =	vmul.f32 v62, v63;
	v36 =	vadd.s32 v57, v36;
	v35 =	vadd.f32 v35, v61  }
0x1c3: {  	v55 =	vmul.f32 v52, v53;
	v57 =	vbroadcast v37, $0xD;
	v36 =	vadd.s32 v60, v36  }
0x1c4: {  	v56 =	vadd.f32 v45, v23;
	v36 =	vadd.s32 v48, v36;
	v35 =	vadd.f32 v35, v50  }
0x1c5: {  	v59 =	vadd.f32 v45, v25;
	v60 =	vbroadcast v37, $0xE;
	v36 =	vadd.s32 v49, v36  }
0x1c6: {  	v58 =	vmul.f32 v56, v57;
	v36 =	vadd.s32 v51, v36;
	v35 =	vadd.f32 v35, v55  }
0x1c7: {  	v62 =	vadd.f32 v45, v22;
	v37 =	vbroadcast v37, $0xF;
	v36 =	vadd.s32 v54, v36  }
0x1c8: {  	v61 =	vmul.f32 v59, v60;
	v36 =	vcvt.s32.f32 v36;
	v35 =	vadd.f32 v35, v58  }
0x1c9: {  	v63 =	vadd.f32 v45, v24  }
0x1ca: {  	v37 =	vmul.f32 v62, v37;
	v42 =	vbroadcast v36, $0x0;
	v35 =	vadd.f32 v35, v61  }
0x1cb: {  	v44 =	vadd.f32 v45, v26  }
0x1cc: {  	v46 =	vbroadcast v36, $0x1;
	v43 =	vmul.f32 v63, v42;
	v35 =	vadd.f32 v35, v37  }
0x1cd: {  	v48 =	vadd.f32 v45, v29  }
0x1ce: {  	v49 =	vbroadcast v36, $0x2;
	v47 =	vmul.f32 v44, v46;
	v35 =	vadd.f32 v35, v43  }
0x1cf: {  	v51 =	vadd.f32 v45, v31  }
0x1d0: {  	v56 =	vld.idx.msk [tilespmem:v21+s15+$0x0], $0xffff;
	v52 =	vbroadcast v36, $0x3;
	v50 =	vmul.f32 v48, v49;
	v35 =	vadd.f32 v35, v47  }
0x1d1: {  	v54 =	vadd.f32 v45, v32  }
0x1d2: {  	v55 =	vbroadcast v36, $0x4;
	v53 =	vmul.f32 v51, v52;
	v35 =	vadd.f32 v35, v50  }
0x1d3: {  	v60 =	vld [tilespmem:$0x6430];
	v59 =	vbroadcast v36, $0x5  }
0x1d4: {  	v58 =	vadd.f32 v45, v33;
	v57 =	vmul.f32 v54, v55;
	v61 =	vld [tilespmem:$0x6470];
	v35 =	vadd.f32 v35, v53  }
0x1d5: {  	v40 =	vmul.f32 v6, v56;
	v63 =	vld [tilespmem:$0x64B0];
	v48 =	vadd.f32 v45, v34  }
0x1d6: {  	v49 =	vbroadcast v36, $0x6;
	v62 =	vmul.f32 v58, v59;
	v50 =	vld [tilespmem:$0x64F0];
	v35 =	vadd.f32 v35, v57  }
0x1d7: {  	v30 =	vadd.f32 v40, v30;
	v53 =	vld [tilespmem:$0x6530]  }
0x1d8: {  	v52 =	vbroadcast v36, $0x7;
	v54 =	vld [tilespmem:$0x6570];
	v51 =	vmul.f32 v48, v49;
	v35 =	vadd.f32 v35, v62  }
0x1d9: {  	v56 =	vbroadcast v36, $0x8;
	v55 =	vld [tilespmem:$0x65B0];
	v28 =	vadd.f32 v40, v28;
	v41 =	vadd.s32 v60, v61  }
0x1da: {  	v30 =	vmul.f32 v30, v52;
	v38 =	vadd.s32 v63, v41;
	v57 =	vld [tilespmem:$0x65F0];
	v35 =	vadd.f32 v35, v51  }
0x1db: {  	v27 =	vadd.f32 v40, v27;
	v58 =	vbroadcast v36, $0x9;
	v59 =	vld [tilespmem:$0x6630];
	v38 =	vadd.s32 v50, v38  }
0x1dc: {  	v28 =	vmul.f32 v28, v56;
	v60 =	vld [tilespmem:$0x6670];
	v38 =	vadd.s32 v53, v38;
	v30 =	vadd.f32 v35, v30  }
0x1dd: {  	v23 =	vadd.f32 v40, v23;
	v27 =	vmul.f32 v27, v58;
	v62 =	vld [tilespmem:$0x66B0];
	v37 =	vadd.s32 v54, v38  }
0x1de: {  	v43 =	vld [tilespmem:$0x66F0];
	v63 =	vbroadcast v36, $0xA;
	v61 =	vadd.s32 v55, v37;
	v28 =	vadd.f32 v30, v28  }
0x1df: {  	v25 =	vadd.f32 v40, v25;
	v44 =	vbroadcast v36, $0xB;
	v45 =	vld [tilespmem:$0x6730];
	v30 =	vadd.s32 v57, v61  }
0x1e0: {  	v46 =	vld [tilespmem:$0x6770];
	v23 =	vmul.f32 v23, v63;
	v30 =	vadd.s32 v59, v30;
	v27 =	vadd.f32 v28, v27  }
0x1e1: {  	v22 =	vadd.f32 v40, v22;
	v48 =	vld [tilespmem:$0x67B0];
	v49 =	vbroadcast v36, $0xC;
	v30 =	vadd.s32 v60, v30  }
0x1e2: {  	v25 =	vmul.f32 v25, v44;
	v50 =	vld [tilespmem:$0x67F0];
	v47 =	vadd.s32 v62, v30;
	v23 =	vadd.f32 v27, v23  }
0x1e3: {  	v24 =	vadd.f32 v40, v24;
	v22 =	vmul.f32 v22, v49;
	v27 =	vadd.s32 v43, v47  }
0x1e4: {  	v51 =	vbroadcast v36, $0xD;
	v27 =	vadd.s32 v45, v27;
	v23 =	vadd.f32 v23, v25  }
0x1e5: {  	v53 =	vadd.f32 v40, v26;
	v54 =	vbroadcast v36, $0xE;
	v27 =	vadd.s32 v46, v27  }
0x1e6: {  	v52 =	vadd.s32 v48, v27;
	v22 =	vadd.f32 v23, v22;
	v23 =	vmul.f32 v24, v51  }
0x1e7: {  	v56 =	vbroadcast v36, $0xF;
	v55 =	vadd.f32 v40, v29;
	v24 =	vadd.s32 v50, v52  }
0x1e8: {  	v24 =	vcvt.s32.f32 v24;
	v22 =	vadd.f32 v22, v23;
	v23 =	vmul.f32 v53, v54  }
0x1e9: {  	v57 =	vadd.f32 v40, v31  }
0x1ea: {  	v58 =	vbroadcast v24, $0x0;
	v22 =	vadd.f32 v22, v23;
	v23 =	vmul.f32 v55, v56  }
0x1eb: {  	v59 =	vadd.f32 v40, v32  }
0x1ec: {  	v60 =	vbroadcast v24, $0x1;
	v22 =	vadd.f32 v22, v23;
	v23 =	vmul.f32 v57, v58  }
0x1ed: {  	v61 =	vadd.f32 v40, v33  }
0x1ee: {  	v62 =	vbroadcast v24, $0x2;
	v22 =	vadd.f32 v22, v23;
	v23 =	vmul.f32 v59, v60  }
0x1ef: {  	v63 =	vadd.f32 v40, v34  }
0x1f0: {  	v24 =	vbroadcast v24, $0x3;
	v22 =	vadd.f32 v22, v23;
	v23 =	vmul.f32 v61, v62;
	_ =	sdelay $0x1  }
0x1f1: {  	v22 =	vadd.f32 v22, v23;
	v23 =	vmul.f32 v63, v24;
	_ =	sdelay $0x1  }
0x1f2: {  	v22 =	vadd.f32 v22, v23;
	_ =	sdelay $0x1  }
0x1f3: {  	s25 =	sadd.s32 $0x1, s25;
	v22 =	vmul.f32 $1.220703100e-06, v22  }
0x1f4: {  	p0 =	sne.s32 s25, s10  }
.Ltmp4:
0x1f5: {  	[tilespmem:$0x7200] =	vst v22;
	(pc) =	sbr.rel @p0 .LBB2_1-.Ltmp4, $4  }
0x1f6: {  	[hbm4b:s9+s4] =	stream.linear.scatter [tilespmem:s23], [sflag:$0x7], $0x80, $0x38;
	[tilespmem:$0x7280] =	vst v63  }
0x1f7: {  	_ =	swait.ge [sflag:s24], $0x80  }
0x1f8: {  	[sflag:s24] =	ssyncset.done $0x0  }
0x1f9: {  	[sflag:s24] =	ssyncadd.s32 $0xFFFFFF80  }
0x1fa: {  	_ =	sfence.sel $0x180000  }
0x1fb: {  	[bflag:$0x0] =	sbarrier.arrive $0xFFFF  }
0x1fc: {  	p0 =	sne.s32 s0, $0x0;
	_ =	strace $0x90000047  }
0x1fd: {  	s0 =	sadd.s32 @!p0 $0x100000, s1;
	[bflag:$0x2] =	sbarrier.arrive $0xFFFF  }
0x1fe: {  	[sflag:s0] =	ssyncadd.tile.s32 @!p0 $0x1;
	_ =	shalt  }
.Lfunc_end2:
_tile_overlayer_lowered:
.L_overlay_start_2:
0x1ff: {  	(tag) =	ssettag $0x2  }
0x200: {  	s0 =	rddreg [dreg:$0x0];
	s2 =	stileid.u32  }
0x201: {  	s1 =	rddreg [dreg:$0x1];
	p0 =	sne.s32 s2, $0x0  }
0x202: {  	s3 =	rddreg [dreg:$0x2];
	[bflag:$0x3] =	sbarrier.arrive $0xFFFF;
	s2 =	simm.s32 @!p0 $0x1C07  }
0x203: {  	[timem:s3], [sflag:s2] =	dma.local @!p0 [hbm:s0], s1  }
0x204: {  	s0 =	simm.s32 @!p0 $0x7  }
0x205: {  	_ =	swait.ge @!p0 [sflag:s0], s1  }
0x206: {  	s1 =	ssub.s32 @!p0 $0x0, s1;
	[sflag:s0] =	ssyncset.done @!p0 $0x0  }
0x207: {  	[sflag:s0] =	ssyncadd.s32 @!p0 s1  }
0x208: {  	[bflag:$0x3] =	sbarrier.arrive $0xFFFF  }
0x209: {  	_ =	shalt  }

</sc_bundles>
